<compile_context>
chip_gen: v7x
topology: tpu7x:2x2x1
jax: 0.10.2.dev20260603
libtpu: 0.0.44.dev20260713+nightly
codegen_flags: <defaults>
</compile_context>

<pallas_src>
import functools

import jax
import jax.numpy as jnp
from jax import lax
from jax.experimental import pallas as pl
from jax.experimental.pallas import tpu as pltpu
from jax.experimental.pallas import tpu_sc as plsc

_NC = 2
_NS = 16
_LANES = 16
_MAX_IDX = 128
_CHUNK = 32768


def _relayout_body(src_ref, toks_ref, out_ref, idx_ref, *, EMB):
    x = src_ref[...]
    G = _CHUNK // 4
    x4 = jnp.concatenate([x[:, G * q:G * (q + 1)] for q in range(4)], axis=0)
    out_ref[...] = jnp.swapaxes(x4, 0, 1)
    t = toks_ref[...]
    rem = jnp.bitwise_and(t, _CHUNK - 1)
    g = (jnp.bitwise_and(t, jnp.int32(~(_CHUNK - 1))) +
         (jnp.bitwise_and(rem, G - 1) << 2) + (rem // G))
    idx_ref[...] = g


def _make_relayout(V, EMB, NT):
    grid = (V + _CHUNK - 1) // _CHUNK
    rows_out = grid * (_CHUNK // 4)
    assert grid * _CHUNK >= NT
    return pl.pallas_call(
        functools.partial(_relayout_body, EMB=EMB),
        grid=(grid,),
        in_specs=[
            pl.BlockSpec((EMB, _CHUNK), lambda i: (0, i)),
            pl.BlockSpec((_CHUNK,), lambda i: (i,)),
        ],
        out_specs=[
            pl.BlockSpec((_CHUNK // 4, 4 * EMB), lambda i: (i, 0)),
            pl.BlockSpec((_CHUNK,), lambda i: (i,)),
        ],
        out_shape=[
            jax.ShapeDtypeStruct((rows_out, 4 * EMB), jnp.float32),
            jax.ShapeDtypeStruct((grid * _CHUNK,), jnp.int32),
        ],
    )


def _make_pooling_kernel(N, T, EMB, VROWS):
    NW = _NC * _NS
    assert N % NW == 0, N
    SPW = N // NW
    assert SPW % 2 == 0, SPW
    assert EMB % _LANES == 0, EMB
    assert T % 8 == 0, T

    chunks = []
    off = 0
    while off < T:
        c = min(_MAX_IDX, T - off)
        chunks.append((off, c))
        off += c

    mesh = plsc.VectorSubcoreMesh(
        core_axis_name="c", subcore_axis_name="s",
        num_cores=_NC, num_subcores=_NS)

    def body(toks_hbm, table_hbm, out_hbm,
             idx_v, rows_a, rows_b, pooled_v, sem_a, sem_b):
        wid = lax.axis_index("s") * _NC + lax.axis_index("c")
        tok_base = pl.multiple_of(wid * (SPW * T), 8)
        pltpu.sync_copy(toks_hbm.at[pl.ds(tok_base, SPW * T)], idx_v)

        def copies(s, rows, sem):
            res = []
            for (o, c) in chunks:
                src = table_hbm.at[idx_v.at[pl.ds(pl.multiple_of(s * T + o, 8), c)]]
                res.append(pltpu.make_async_copy(src, rows.at[pl.ds(o, c)], sem))
            return res

        def start(s, rows, sem):
            for cp in copies(s, rows, sem):
                cp.start()

        def wait(s, rows, sem):
            for cp in copies(s, rows, sem):
                cp.wait()

        def reduce_store(s, rows):
            ngrp = EMB // _LANES

            def rbody(t, acc):
                return tuple(acc[g] + rows[t, pl.ds(g * _LANES, _LANES)]
                             for g in range(ngrp))

            zero = tuple(jnp.zeros((_LANES,), jnp.float32) for _ in range(ngrp))
            acc = lax.fori_loop(0, T, rbody, zero, unroll=8)
            for g in range(ngrp):
                pooled_v[s, pl.ds(g * _LANES, _LANES)] = acc[g]

        start(0, rows_a, sem_a)

        def pair(p, carry):
            s0 = p * 2
            start(s0 + 1, rows_b, sem_b)
            wait(s0, rows_a, sem_a)
            reduce_store(s0, rows_a)

            @pl.when(s0 + 2 < SPW)
            def _():
                start(s0 + 2, rows_a, sem_a)

            wait(s0 + 1, rows_b, sem_b)
            reduce_store(s0 + 1, rows_b)
            return carry

        lax.fori_loop(0, SPW // 2, pair, 0)

        out_base = pl.multiple_of(wid * SPW, 8)
        pltpu.sync_copy(pooled_v, out_hbm.at[pl.ds(out_base, SPW)])

    return pl.kernel(
        body,
        out_type=jax.ShapeDtypeStruct((N, EMB), jnp.float32),
        mesh=mesh,
        compiler_params=pltpu.CompilerParams(use_tc_tiling_on_sc=False),
        scratch_types=[
            pltpu.VMEM((SPW * T,), jnp.int32),
            pltpu.VMEM((T, EMB), jnp.float32),
            pltpu.VMEM((T, EMB), jnp.float32),
            pltpu.VMEM((SPW, EMB), jnp.float32),
            pltpu.SemaphoreType.DMA,
            pltpu.SemaphoreType.DMA,
        ],
    )


def _head_body(ps_ref, w_ref, b_ref, stdev_ref, noise_ref, out_ref, *, T):
    pooled = ps_ref[...] * (1.0 / T)
    logits = jnp.dot(pooled, w_ref[...], preferred_element_type=jnp.float32)
    logits = logits + b_ref[...] + stdev_ref[0, 0] * noise_ref[...]
    out_ref[...] = jax.nn.log_softmax(logits, axis=-1)


def kernel(toks, tok_emb, W, b, stdev, noise):
    N, T = toks.shape
    V, EMB = tok_emb.shape
    NCLS = W.shape[1]
    NT = N * T
    toks_flat = toks.reshape(-1).astype(jnp.int32)
    table_p, idx_p = _make_relayout(V, EMB, NT)(tok_emb.T, toks_flat)
    vrows = table_p.shape[0] * 4
    table_lin = table_p.reshape(vrows, EMB)
    pooled_sum = _make_pooling_kernel(N, T, EMB, vrows)(idx_p[:NT], table_lin)
    head = pl.pallas_call(
        functools.partial(_head_body, T=T),
        out_shape=jax.ShapeDtypeStruct((N, NCLS), jnp.float32),
    )
    return head(pooled_sum, W, b.reshape(1, NCLS),
                stdev.reshape(1, 1), noise)

# --- scband reference (transcript-rebuilt; emitter-appended) ---
"""Pipeline reference for scband-discriminator-71605694759765 (READ-ONLY COPY).

The authoritative reference and input builder live on the scoring server;
editing this copy changes nothing except your own understanding.
"""

import jax, jax.numpy as jnp
import numpy as np

VOCAB = 1000000
EMB = 32
N = 4096
T = 200
NCLS = 2


def setup_inputs(seed: int = 0) -> dict:
    key = jax.random.key(seed)
    k1, k2, k3, k4, k5 = jax.random.split(key, 5)
    toks = jax.random.randint(k1, (N, T), 0, VOCAB, dtype=jnp.int64 if jax.config.jax_enable_x64 else jnp.int32)
    tok_emb = jax.random.normal(k2, (VOCAB, EMB), dtype=jnp.float32) * 0.02
    # padding_idx=0 -> zero row (env != SYNTH branch)
    tok_emb = tok_emb.at[0].set(0.0)
    W = jax.random.normal(k3, (EMB, NCLS), dtype=jnp.float32) * 0.1
    b = jnp.zeros((NCLS,), dtype=jnp.float32)
    stdev = jax.random.normal(k4, (1,), dtype=jnp.float32) * 0.1
    # fuzz noise: torch does logits.data.new(size).normal_() -> standard normal constant
    noise = jax.random.normal(k5, (N, NCLS), dtype=jnp.float32)
    return {"toks": toks, "tok_emb": tok_emb, "W": W, "b": b, "stdev": stdev, "noise": noise}


def reference(toks, tok_emb, W, b, stdev, noise):
    # _forward: embedding lookup (the SparseCore-relevant op), mean-pool over time,
    # linear head to class logits (minimal concrete discriminator head).
    emb = jnp.take(tok_emb, toks, axis=0)          # [N, T, EMB] gather
    pooled = emb.mean(axis=1)                       # [N, EMB]
    logits = pooled @ W + b                         # [N, NCLS]
    fuzz = noise * stdev                            # Variable(noise) * stdev
    return jax.nn.log_softmax(logits + fuzz, axis=1)

if __name__ == "__main__":
    import jax
    _d = setup_inputs()
    print(jax.jit(kernel)(*tuple(_d.values())))

</pallas_src>

<mosaic_0001>
#map = affine_map<(d0, d1) -> (0)>
#map1 = affine_map<(d0, d1) -> (0, 0)>
module attributes {stable_mosaic.version = 14 : i64} {
  func.func @body(%arg0: i32, %arg1: i32, %arg2: memref<819200xi32, #tpu.memory_space<hbm>>, %arg3: memref<1015808x32xf32, #tpu.memory_space<hbm>>, %arg4: memref<4096x32xf32, #tpu.memory_space<hbm>>, %arg5: memref<25600xi32, #tpu.memory_space<vmem>>, %arg6: memref<200x32xf32, #tpu.memory_space<vmem>>, %arg7: memref<200x32xf32, #tpu.memory_space<vmem>>, %arg8: memref<128x32xf32, #tpu.memory_space<vmem>>, %arg9: memref<!tpu.dma_semaphore, #tpu.memory_space<semaphore_mem>>, %arg10: memref<!tpu.dma_semaphore, #tpu.memory_space<semaphore_mem>>) attributes {dimension_semantics = [#tpu.dimension_semantics<core_parallel>, #tpu.dimension_semantics<subcore_parallel>], iteration_bounds = array<i64: 2, 16>, scalar_prefetch = 0 : i64, scratch_operands = 6 : i64, tpu.core_type = #tpu.core_type<sc_vector_subcore>, window_params = [{transform_indices = #map}, {transform_indices = #map1}, {transform_indices = #map1}]} {
    %mul3A = arith.constant 2 : i32
    %mul3A_0 = arith.muli %arg1, %mul3A : i32
    %add3A = arith.addi %mul3A_0, %arg0 : i32
    %mul3A_1 = arith.constant 25600 : i32
    %mul3A_2 = arith.muli %add3A, %mul3A_1 : i32
    %multiple_of3A = tpu.assume_multiple %mul3A_2, 8 : i32
    "tpu.region"() ({
      %run_scoped3A = tpu.sem_alloc : memref<!tpu.dma_semaphore, #tpu.memory_space<semaphore_mem>>
      %dma_start3A_28 = tpu.memref_slice %arg2[%multiple_of3A] : memref<819200xi32, #tpu.memory_space<hbm>> -> memref<25600xi32, #tpu.memory_space<hbm>>
      %dma_start3A_29 = tpu.memref_slice %arg2[%multiple_of3A] : memref<819200xi32, #tpu.memory_space<hbm>> -> memref<25600xi32, #tpu.memory_space<hbm>>
      tpu.enqueue_dma source(%dma_start3A_29 : memref<25600xi32, #tpu.memory_space<hbm>>) target(%arg5 : memref<25600xi32, #tpu.memory_space<vmem>>) target_semaphore(%run_scoped3A : memref<!tpu.dma_semaphore, #tpu.memory_space<semaphore_mem>>)
      %dma_wait3A = tpu.memref_slice %arg2[%multiple_of3A] : memref<819200xi32, #tpu.memory_space<hbm>> -> memref<25600xi32, #tpu.memory_space<hbm>>
      %dma_wait3A_30 = tpu.memref_slice %arg2[%multiple_of3A] : memref<819200xi32, #tpu.memory_space<hbm>> -> memref<25600xi32, #tpu.memory_space<hbm>>
      tpu.wait_dma2 semaphore(%run_scoped3A : memref<!tpu.dma_semaphore, #tpu.memory_space<semaphore_mem>>) src(%dma_wait3A_30 : memref<25600xi32, #tpu.memory_space<hbm>>) dst(%arg5 : memref<25600xi32, #tpu.memory_space<vmem>>)
      tpu.yield
    }) : () -> ()
    %multiple_of3A_3 = arith.constant 0 : i32
    %multiple_of3A_4 = tpu.assume_multiple %multiple_of3A_3, 8 : i32
    %multiple_of3A_5 = arith.constant 128 : i32
    %multiple_of3A_6 = tpu.assume_multiple %multiple_of3A_5, 8 : i32
    %dma_start3A = arith.constant 0 : i32
    %dma_start3A_7 = arith.constant 0 : i32
    %dma_start3A_8 = tpu.memref_slice %arg6[%dma_start3A, %dma_start3A_7] : memref<200x32xf32, #tpu.memory_space<vmem>> -> memref<128x32xf32, #tpu.memory_space<vmem>>
    %dma_start3A_9 = tpu.memref_slice %arg5[%multiple_of3A_4] : memref<25600xi32, #tpu.memory_space<vmem>> -> memref<128xi32, #tpu.memory_space<vmem>>
    %dma_start3A_10 = arith.constant 0 : i32
    %dma_start3A_11 = arith.constant 0 : i32
    %dma_start3A_12 = tpu.memref_slice %arg3[%dma_start3A_10, %dma_start3A_11] : memref<1015808x32xf32, #tpu.memory_space<hbm>> -> memref<1015808x32xf32, #tpu.memory_space<hbm>>
    tpu.enqueue_indirect_dma source(%dma_start3A_12 : memref<1015808x32xf32, #tpu.memory_space<hbm>>) target(%dma_start3A_8 : memref<128x32xf32, #tpu.memory_space<vmem>>) offsets(%dma_start3A_9 : memref<128xi32, #tpu.memory_space<vmem>>) semaphore(%arg9 : memref<!tpu.dma_semaphore, #tpu.memory_space<semaphore_mem>>)
    %dma_start3A_13 = arith.constant 128 : i32
    %dma_start3A_14 = arith.constant 0 : i32
    %dma_start3A_15 = tpu.memref_slice %arg6[%dma_start3A_13, %dma_start3A_14] : memref<200x32xf32, #tpu.memory_space<vmem>> -> memref<72x32xf32, #tpu.memory_space<vmem>>
    %dma_start3A_16 = tpu.memref_slice %arg5[%multiple_of3A_6] : memref<25600xi32, #tpu.memory_space<vmem>> -> memref<72xi32, #tpu.memory_space<vmem>>
    %dma_start3A_17 = arith.constant 0 : i32
    %dma_start3A_18 = arith.constant 0 : i32
    %dma_start3A_19 = tpu.memref_slice %arg3[%dma_start3A_17, %dma_start3A_18] : memref<1015808x32xf32, #tpu.memory_space<hbm>> -> memref<1015808x32xf32, #tpu.memory_space<hbm>>
    tpu.enqueue_indirect_dma source(%dma_start3A_19 : memref<1015808x32xf32, #tpu.memory_space<hbm>>) target(%dma_start3A_15 : memref<72x32xf32, #tpu.memory_space<vmem>>) offsets(%dma_start3A_16 : memref<72xi32, #tpu.memory_space<vmem>>) semaphore(%arg9 : memref<!tpu.dma_semaphore, #tpu.memory_space<semaphore_mem>>)
    %scan3A = arith.constant 0 : i32
    %scan3A_20 = arith.constant 0 : i32
    %scan3A_21 = arith.constant 64 : i32
    %scan3A_22 = arith.addi %scan3A_20, %scan3A_21 : i32
    %scan3A_23 = arith.constant 1 : i32
    scf.for %scan3A_28 = %scan3A_20 to %scan3A_22 step %scan3A_23  : i32 {
      %mul3A_29 = arith.constant 2 : i32
      %mul3A_30 = arith.muli %scan3A_28, %mul3A_29 : i32
      %add3A_31 = arith.constant 1 : i32
      %add3A_32 = arith.addi %mul3A_30, %add3A_31 : i32
      %mul3A_33 = arith.constant 200 : i32
      %mul3A_34 = arith.muli %add3A_32, %mul3A_33 : i32
      %add3A_35 = arith.constant 0 : i32
      %add3A_36 = arith.addi %mul3A_34, %add3A_35 : i32
      %multiple_of3A_37 = tpu.assume_multiple %add3A_36, 8 : i32
      %mul3A_38 = arith.constant 200 : i32
      %mul3A_39 = arith.muli %add3A_32, %mul3A_38 : i32
      %add3A_40 = arith.constant 128 : i32
      %add3A_41 = arith.addi %mul3A_39, %add3A_40 : i32
      %multiple_of3A_42 = tpu.assume_multiple %add3A_41, 8 : i32
      %dma_start3A_43 = arith.constant 0 : i32
      %dma_start3A_44 = arith.constant 0 : i32
      %dma_start3A_45 = tpu.memref_slice %arg7[%dma_start3A_43, %dma_start3A_44] : memref<200x32xf32, #tpu.memory_space<vmem>> -> memref<128x32xf32, #tpu.memory_space<vmem>>
      %dma_start3A_46 = tpu.memref_slice %arg5[%multiple_of3A_37] : memref<25600xi32, #tpu.memory_space<vmem>> -> memref<128xi32, #tpu.memory_space<vmem>>
      %dma_start3A_47 = arith.constant 0 : i32
      %dma_start3A_48 = arith.constant 0 : i32
      %dma_start3A_49 = tpu.memref_slice %arg3[%dma_start3A_47, %dma_start3A_48] : memref<1015808x32xf32, #tpu.memory_space<hbm>> -> memref<1015808x32xf32, #tpu.memory_space<hbm>>
      tpu.enqueue_indirect_dma source(%dma_start3A_49 : memref<1015808x32xf32, #tpu.memory_space<hbm>>) target(%dma_start3A_45 : memref<128x32xf32, #tpu.memory_space<vmem>>) offsets(%dma_start3A_46 : memref<128xi32, #tpu.memory_space<vmem>>) semaphore(%arg10 : memref<!tpu.dma_semaphore, #tpu.memory_space<semaphore_mem>>)
      %dma_start3A_50 = arith.constant 128 : i32
      %dma_start3A_51 = arith.constant 0 : i32
      %dma_start3A_52 = tpu.memref_slice %arg7[%dma_start3A_50, %dma_start3A_51] : memref<200x32xf32, #tpu.memory_space<vmem>> -> memref<72x32xf32, #tpu.memory_space<vmem>>
      %dma_start3A_53 = tpu.memref_slice %arg5[%multiple_of3A_42] : memref<25600xi32, #tpu.memory_space<vmem>> -> memref<72xi32, #tpu.memory_space<vmem>>
      %dma_start3A_54 = arith.constant 0 : i32
      %dma_start3A_55 = arith.constant 0 : i32
      %dma_start3A_56 = tpu.memref_slice %arg3[%dma_start3A_54, %dma_start3A_55] : memref<1015808x32xf32, #tpu.memory_space<hbm>> -> memref<1015808x32xf32, #tpu.memory_space<hbm>>
      tpu.enqueue_indirect_dma source(%dma_start3A_56 : memref<1015808x32xf32, #tpu.memory_space<hbm>>) target(%dma_start3A_52 : memref<72x32xf32, #tpu.memory_space<vmem>>) offsets(%dma_start3A_53 : memref<72xi32, #tpu.memory_space<vmem>>) semaphore(%arg10 : memref<!tpu.dma_semaphore, #tpu.memory_space<semaphore_mem>>)
      %mul3A_57 = arith.constant 200 : i32
      %mul3A_58 = arith.muli %mul3A_30, %mul3A_57 : i32
      %add3A_59 = arith.constant 0 : i32
      %add3A_60 = arith.addi %mul3A_58, %add3A_59 : i32
      %multiple_of3A_61 = tpu.assume_multiple %add3A_60, 8 : i32
      %mul3A_62 = arith.constant 200 : i32
      %mul3A_63 = arith.muli %mul3A_30, %mul3A_62 : i32
      %add3A_64 = arith.constant 128 : i32
      %add3A_65 = arith.addi %mul3A_63, %add3A_64 : i32
      %multiple_of3A_66 = tpu.assume_multiple %add3A_65, 8 : i32
      %dma_wait3A = arith.constant 0 : i32
      %dma_wait3A_67 = arith.constant 0 : i32
      %dma_wait3A_68 = tpu.memref_slice %arg6[%dma_wait3A, %dma_wait3A_67] : memref<200x32xf32, #tpu.memory_space<vmem>> -> memref<128x32xf32, #tpu.memory_space<vmem>>
      %dma_wait3A_69 = tpu.memref_slice %arg5[%multiple_of3A_61] : memref<25600xi32, #tpu.memory_space<vmem>> -> memref<128xi32, #tpu.memory_space<vmem>>
      %dma_wait3A_70 = arith.constant 0 : i32
      %dma_wait3A_71 = arith.constant 0 : i32
      %dma_wait3A_72 = tpu.memref_slice %arg3[%dma_wait3A_70, %dma_wait3A_71] : memref<1015808x32xf32, #tpu.memory_space<hbm>> -> memref<1015808x32xf32, #tpu.memory_space<hbm>>
      tpu.wait_indirect_dma semaphore(%arg9 : memref<!tpu.dma_semaphore, #tpu.memory_space<semaphore_mem>>) src(%dma_wait3A_72 : memref<1015808x32xf32, #tpu.memory_space<hbm>>) dst(%dma_wait3A_68 : memref<128x32xf32, #tpu.memory_space<vmem>>)
      %dma_wait3A_73 = arith.constant 128 : i32
      %dma_wait3A_74 = arith.constant 0 : i32
      %dma_wait3A_75 = tpu.memref_slice %arg6[%dma_wait3A_73, %dma_wait3A_74] : memref<200x32xf32, #tpu.memory_space<vmem>> -> memref<72x32xf32, #tpu.memory_space<vmem>>
      %dma_wait3A_76 = tpu.memref_slice %arg5[%multiple_of3A_66] : memref<25600xi32, #tpu.memory_space<vmem>> -> memref<72xi32, #tpu.memory_space<vmem>>
      %dma_wait3A_77 = arith.constant 0 : i32
      %dma_wait3A_78 = arith.constant 0 : i32
      %dma_wait3A_79 = tpu.memref_slice %arg3[%dma_wait3A_77, %dma_wait3A_78] : memref<1015808x32xf32, #tpu.memory_space<hbm>> -> memref<1015808x32xf32, #tpu.memory_space<hbm>>
      tpu.wait_indirect_dma semaphore(%arg9 : memref<!tpu.dma_semaphore, #tpu.memory_space<semaphore_mem>>) src(%dma_wait3A_79 : memref<1015808x32xf32, #tpu.memory_space<hbm>>) dst(%dma_wait3A_75 : memref<72x32xf32, #tpu.memory_space<vmem>>)
      %broadcast_in_dim3A = arith.constant 0.000000e+00 : f32
      %broadcast_in_dim3A_80 = vector.broadcast %broadcast_in_dim3A : f32 to vector<16xf32>
      %broadcast_in_dim3A_81 = arith.constant 0.000000e+00 : f32
      %broadcast_in_dim3A_82 = vector.broadcast %broadcast_in_dim3A_81 : f32 to vector<16xf32>
      %scan3A_83 = arith.constant 0 : i32
      %scan3A_84 = arith.constant 200 : i32
      %scan3A_85 = arith.addi %scan3A_83, %scan3A_84 : i32
      %scan3A_86 = arith.constant 8 : i32
      %scan3A_87:2 = scf.for %scan3A_150 = %scan3A_83 to %scan3A_85 step %scan3A_86 iter_args(%scan3A_151 = %broadcast_in_dim3A_80, %scan3A_152 = %broadcast_in_dim3A_82) -> (vector<16xf32>, vector<16xf32>)  : i32 {
        %get3A = arith.index_cast %scan3A_150 : i32 to index
        %get3A_153 = arith.constant 0 : index
        %get3A_154 = tpu.vector_load %arg6[%get3A, %get3A_153] {strides = array<i32>} : memref<200x32xf32, #tpu.memory_space<vmem>>, vector<1x16xf32>,
        %get3A_155 = vector.shape_cast %get3A_154 : vector<1x16xf32> to vector<16xf32>
        %add3A_156 = arith.addf %scan3A_151, %get3A_155 : vector<16xf32>
        %get3A_157 = arith.index_cast %scan3A_150 : i32 to index
        %get3A_158 = arith.constant 16 : index
        %get3A_159 = tpu.vector_load %arg6[%get3A_157, %get3A_158] {strides = array<i32>} : memref<200x32xf32, #tpu.memory_space<vmem>>, vector<1x16xf32>,
        %get3A_160 = vector.shape_cast %get3A_159 : vector<1x16xf32> to vector<16xf32>
        %add3A_161 = arith.addf %scan3A_152, %get3A_160 : vector<16xf32>
        %scan3A_162 = arith.constant 1 : i32
        %scan3A_163 = arith.addi %scan3A_150, %scan3A_162 : i32
        %get3A_164 = arith.index_cast %scan3A_163 : i32 to index
        %get3A_165 = arith.constant 0 : index
        %get3A_166 = tpu.vector_load %arg6[%get3A_164, %get3A_165] {strides = array<i32>} : memref<200x32xf32, #tpu.memory_space<vmem>>, vector<1x16xf32>,
        %get3A_167 = vector.shape_cast %get3A_166 : vector<1x16xf32> to vector<16xf32>
        %add3A_168 = arith.addf %add3A_156, %get3A_167 : vector<16xf32>
        %get3A_169 = arith.index_cast %scan3A_163 : i32 to index
        %get3A_170 = arith.constant 16 : index
        %get3A_171 = tpu.vector_load %arg6[%get3A_169, %get3A_170] {strides = array<i32>} : memref<200x32xf32, #tpu.memory_space<vmem>>, vector<1x16xf32>,
        %get3A_172 = vector.shape_cast %get3A_171 : vector<1x16xf32> to vector<16xf32>
        %add3A_173 = arith.addf %add3A_161, %get3A_172 : vector<16xf32>
        %scan3A_174 = arith.constant 2 : i32
        %scan3A_175 = arith.addi %scan3A_150, %scan3A_174 : i32
        %get3A_176 = arith.index_cast %scan3A_175 : i32 to index
        %get3A_177 = arith.constant 0 : index
        %get3A_178 = tpu.vector_load %arg6[%get3A_176, %get3A_177] {strides = array<i32>} : memref<200x32xf32, #tpu.memory_space<vmem>>, vector<1x16xf32>,
        %get3A_179 = vector.shape_cast %get3A_178 : vector<1x16xf32> to vector<16xf32>
        %add3A_180 = arith.addf %add3A_168, %get3A_179 : vector<16xf32>
        %get3A_181 = arith.index_cast %scan3A_175 : i32 to index
        %get3A_182 = arith.constant 16 : index
        %get3A_183 = tpu.vector_load %arg6[%get3A_181, %get3A_182] {strides = array<i32>} : memref<200x32xf32, #tpu.memory_space<vmem>>, vector<1x16xf32>,
        %get3A_184 = vector.shape_cast %get3A_183 : vector<1x16xf32> to vector<16xf32>
        %add3A_185 = arith.addf %add3A_173, %get3A_184 : vector<16xf32>
        %scan3A_186 = arith.constant 3 : i32
        %scan3A_187 = arith.addi %scan3A_150, %scan3A_186 : i32
        %get3A_188 = arith.index_cast %scan3A_187 : i32 to index
        %get3A_189 = arith.constant 0 : index
        %get3A_190 = tpu.vector_load %arg6[%get3A_188, %get3A_189] {strides = array<i32>} : memref<200x32xf32, #tpu.memory_space<vmem>>, vector<1x16xf32>,
        %get3A_191 = vector.shape_cast %get3A_190 : vector<1x16xf32> to vector<16xf32>
        %add3A_192 = arith.addf %add3A_180, %get3A_191 : vector<16xf32>
        %get3A_193 = arith.index_cast %scan3A_187 : i32 to index
        %get3A_194 = arith.constant 16 : index
        %get3A_195 = tpu.vector_load %arg6[%get3A_193, %get3A_194] {strides = array<i32>} : memref<200x32xf32, #tpu.memory_space<vmem>>, vector<1x16xf32>,
        %get3A_196 = vector.shape_cast %get3A_195 : vector<1x16xf32> to vector<16xf32>
        %add3A_197 = arith.addf %add3A_185, %get3A_196 : vector<16xf32>
        %scan3A_198 = arith.constant 4 : i32
        %scan3A_199 = arith.addi %scan3A_150, %scan3A_198 : i32
        %get3A_200 = arith.index_cast %scan3A_199 : i32 to index
        %get3A_201 = arith.constant 0 : index
        %get3A_202 = tpu.vector_load %arg6[%get3A_200, %get3A_201] {strides = array<i32>} : memref<200x32xf32, #tpu.memory_space<vmem>>, vector<1x16xf32>,
        %get3A_203 = vector.shape_cast %get3A_202 : vector<1x16xf32> to vector<16xf32>
        %add3A_204 = arith.addf %add3A_192, %get3A_203 : vector<16xf32>
        %get3A_205 = arith.index_cast %scan3A_199 : i32 to index
        %get3A_206 = arith.constant 16 : index
        %get3A_207 = tpu.vector_load %arg6[%get3A_205, %get3A_206] {strides = array<i32>} : memref<200x32xf32, #tpu.memory_space<vmem>>, vector<1x16xf32>,
        %get3A_208 = vector.shape_cast %get3A_207 : vector<1x16xf32> to vector<16xf32>
        %add3A_209 = arith.addf %add3A_197, %get3A_208 : vector<16xf32>
        %scan3A_210 = arith.constant 5 : i32
        %scan3A_211 = arith.addi %scan3A_150, %scan3A_210 : i32
        %get3A_212 = arith.index_cast %scan3A_211 : i32 to index
        %get3A_213 = arith.constant 0 : index
        %get3A_214 = tpu.vector_load %arg6[%get3A_212, %get3A_213] {strides = array<i32>} : memref<200x32xf32, #tpu.memory_space<vmem>>, vector<1x16xf32>,
        %get3A_215 = vector.shape_cast %get3A_214 : vector<1x16xf32> to vector<16xf32>
        %add3A_216 = arith.addf %add3A_204, %get3A_215 : vector<16xf32>
        %get3A_217 = arith.index_cast %scan3A_211 : i32 to index
        %get3A_218 = arith.constant 16 : index
        %get3A_219 = tpu.vector_load %arg6[%get3A_217, %get3A_218] {strides = array<i32>} : memref<200x32xf32, #tpu.memory_space<vmem>>, vector<1x16xf32>,
        %get3A_220 = vector.shape_cast %get3A_219 : vector<1x16xf32> to vector<16xf32>
        %add3A_221 = arith.addf %add3A_209, %get3A_220 : vector<16xf32>
        %scan3A_222 = arith.constant 6 : i32
        %scan3A_223 = arith.addi %scan3A_150, %scan3A_222 : i32
        %get3A_224 = arith.index_cast %scan3A_223 : i32 to index
        %get3A_225 = arith.constant 0 : index
        %get3A_226 = tpu.vector_load %arg6[%get3A_224, %get3A_225] {strides = array<i32>} : memref<200x32xf32, #tpu.memory_space<vmem>>, vector<1x16xf32>,
        %get3A_227 = vector.shape_cast %get3A_226 : vector<1x16xf32> to vector<16xf32>
        %add3A_228 = arith.addf %add3A_216, %get3A_227 : vector<16xf32>
        %get3A_229 = arith.index_cast %scan3A_223 : i32 to index
        %get3A_230 = arith.constant 16 : index
        %get3A_231 = tpu.vector_load %arg6[%get3A_229, %get3A_230] {strides = array<i32>} : memref<200x32xf32, #tpu.memory_space<vmem>>, vector<1x16xf32>,
        %get3A_232 = vector.shape_cast %get3A_231 : vector<1x16xf32> to vector<16xf32>
        %add3A_233 = arith.addf %add3A_221, %get3A_232 : vector<16xf32>
        %scan3A_234 = arith.constant 7 : i32
        %scan3A_235 = arith.addi %scan3A_150, %scan3A_234 : i32
        %get3A_236 = arith.index_cast %scan3A_235 : i32 to index
        %get3A_237 = arith.constant 0 : index
        %get3A_238 = tpu.vector_load %arg6[%get3A_236, %get3A_237] {strides = array<i32>} : memref<200x32xf32, #tpu.memory_space<vmem>>, vector<1x16xf32>,
        %get3A_239 = vector.shape_cast %get3A_238 : vector<1x16xf32> to vector<16xf32>
        %add3A_240 = arith.addf %add3A_228, %get3A_239 : vector<16xf32>
        %get3A_241 = arith.index_cast %scan3A_235 : i32 to index
        %get3A_242 = arith.constant 16 : index
        %get3A_243 = tpu.vector_load %arg6[%get3A_241, %get3A_242] {strides = array<i32>} : memref<200x32xf32, #tpu.memory_space<vmem>>, vector<1x16xf32>,
        %get3A_244 = vector.shape_cast %get3A_243 : vector<1x16xf32> to vector<16xf32>
        %add3A_245 = arith.addf %add3A_233, %get3A_244 : vector<16xf32>
        scf.yield %add3A_240, %add3A_245 : vector<16xf32>, vector<16xf32>
      }
      %scan3A_88 = arith.constant 200 : i32
      %swap3A = arith.index_cast %mul3A_30 : i32 to index
      %swap3A_89 = arith.constant 0 : index
      %swap3A_90 = tpu.vector_load %arg8[%swap3A, %swap3A_89] {strides = array<i32>} : memref<128x32xf32, #tpu.memory_space<vmem>>, vector<1x16xf32>,
      %swap3A_91 = vector.shape_cast %swap3A_90 : vector<1x16xf32> to vector<16xf32>
      %swap3A_92 = vector.shape_cast %scan3A_87#0 : vector<16xf32> to vector<1x16xf32>
      tpu.vector_store %arg8[%swap3A, %swap3A_89], %swap3A_92 {strides = array<i32>} : memref<128x32xf32, #tpu.memory_space<vmem>>, vector<1x16xf32>,
      %swap3A_93 = arith.index_cast %mul3A_30 : i32 to index
      %swap3A_94 = arith.constant 16 : index
      %swap3A_95 = tpu.vector_load %arg8[%swap3A_93, %swap3A_94] {strides = array<i32>} : memref<128x32xf32, #tpu.memory_space<vmem>>, vector<1x16xf32>,
      %swap3A_96 = vector.shape_cast %swap3A_95 : vector<1x16xf32> to vector<16xf32>
      %swap3A_97 = vector.shape_cast %scan3A_87#1 : vector<16xf32> to vector<1x16xf32>
      tpu.vector_store %arg8[%swap3A_93, %swap3A_94], %swap3A_97 {strides = array<i32>} : memref<128x32xf32, #tpu.memory_space<vmem>>, vector<1x16xf32>,
      %add3A_98 = arith.constant 2 : i32
      %add3A_99 = arith.addi %mul3A_30, %add3A_98 : i32
      %lt3A = arith.constant 128 : i32
      %lt3A_100 = arith.cmpi slt, %add3A_99, %lt3A : i32
      %convert_element_type3A = arith.extui %lt3A_100 : i1 to i32
      %cond3A = arith.constant 0 : i32
      %cond3A_101 = arith.cmpi ne, %convert_element_type3A, %cond3A : i32
      scf.if %cond3A_101 {
        %add3A_150 = arith.constant 2 : i32
        %add3A_151 = arith.addi %mul3A_30, %add3A_150 : i32
        %mul3A_152 = arith.constant 200 : i32
        %mul3A_153 = arith.muli %add3A_151, %mul3A_152 : i32
        %add3A_154 = arith.constant 0 : i32
        %add3A_155 = arith.addi %mul3A_153, %add3A_154 : i32
        %multiple_of3A_156 = tpu.assume_multiple %add3A_155, 8 : i32
        %mul3A_157 = arith.constant 200 : i32
        %mul3A_158 = arith.muli %add3A_151, %mul3A_157 : i32
        %add3A_159 = arith.constant 128 : i32
        %add3A_160 = arith.addi %mul3A_158, %add3A_159 : i32
        %multiple_of3A_161 = tpu.assume_multiple %add3A_160, 8 : i32
        %dma_start3A_162 = arith.constant 0 : i32
        %dma_start3A_163 = arith.constant 0 : i32
        %dma_start3A_164 = tpu.memref_slice %arg6[%dma_start3A_162, %dma_start3A_163] : memref<200x32xf32, #tpu.memory_space<vmem>> -> memref<128x32xf32, #tpu.memory_space<vmem>>
        %dma_start3A_165 = tpu.memref_slice %arg5[%multiple_of3A_156] : memref<25600xi32, #tpu.memory_space<vmem>> -> memref<128xi32, #tpu.memory_space<vmem>>
        %dma_start3A_166 = arith.constant 0 : i32
        %dma_start3A_167 = arith.constant 0 : i32
        %dma_start3A_168 = tpu.memref_slice %arg3[%dma_start3A_166, %dma_start3A_167] : memref<1015808x32xf32, #tpu.memory_space<hbm>> -> memref<1015808x32xf32, #tpu.memory_space<hbm>>
        tpu.enqueue_indirect_dma source(%dma_start3A_168 : memref<1015808x32xf32, #tpu.memory_space<hbm>>) target(%dma_start3A_164 : memref<128x32xf32, #tpu.memory_space<vmem>>) offsets(%dma_start3A_165 : memref<128xi32, #tpu.memory_space<vmem>>) semaphore(%arg9 : memref<!tpu.dma_semaphore, #tpu.memory_space<semaphore_mem>>)
        %dma_start3A_169 = arith.constant 128 : i32
        %dma_start3A_170 = arith.constant 0 : i32
        %dma_start3A_171 = tpu.memref_slice %arg6[%dma_start3A_169, %dma_start3A_170] : memref<200x32xf32, #tpu.memory_space<vmem>> -> memref<72x32xf32, #tpu.memory_space<vmem>>
        %dma_start3A_172 = tpu.memref_slice %arg5[%multiple_of3A_161] : memref<25600xi32, #tpu.memory_space<vmem>> -> memref<72xi32, #tpu.memory_space<vmem>>
        %dma_start3A_173 = arith.constant 0 : i32
        %dma_start3A_174 = arith.constant 0 : i32
        %dma_start3A_175 = tpu.memref_slice %arg3[%dma_start3A_173, %dma_start3A_174] : memref<1015808x32xf32, #tpu.memory_space<hbm>> -> memref<1015808x32xf32, #tpu.memory_space<hbm>>
        tpu.enqueue_indirect_dma source(%dma_start3A_175 : memref<1015808x32xf32, #tpu.memory_space<hbm>>) target(%dma_start3A_171 : memref<72x32xf32, #tpu.memory_space<vmem>>) offsets(%dma_start3A_172 : memref<72xi32, #tpu.memory_space<vmem>>) semaphore(%arg9 : memref<!tpu.dma_semaphore, #tpu.memory_space<semaphore_mem>>)
      } else {
      }
      %add3A_102 = arith.constant 1 : i32
      %add3A_103 = arith.addi %mul3A_30, %add3A_102 : i32
      %mul3A_104 = arith.constant 200 : i32
      %mul3A_105 = arith.muli %add3A_103, %mul3A_104 : i32
      %add3A_106 = arith.constant 0 : i32
      %add3A_107 = arith.addi %mul3A_105, %add3A_106 : i32
      %multiple_of3A_108 = tpu.assume_multiple %add3A_107, 8 : i32
      %mul3A_109 = arith.constant 200 : i32
      %mul3A_110 = arith.muli %add3A_103, %mul3A_109 : i32
      %add3A_111 = arith.constant 128 : i32
      %add3A_112 = arith.addi %mul3A_110, %add3A_111 : i32
      %multiple_of3A_113 = tpu.assume_multiple %add3A_112, 8 : i32
      %dma_wait3A_114 = arith.constant 0 : i32
      %dma_wait3A_115 = arith.constant 0 : i32
      %dma_wait3A_116 = tpu.memref_slice %arg7[%dma_wait3A_114, %dma_wait3A_115] : memref<200x32xf32, #tpu.memory_space<vmem>> -> memref<128x32xf32, #tpu.memory_space<vmem>>
      %dma_wait3A_117 = tpu.memref_slice %arg5[%multiple_of3A_108] : memref<25600xi32, #tpu.memory_space<vmem>> -> memref<128xi32, #tpu.memory_space<vmem>>
      %dma_wait3A_118 = arith.constant 0 : i32
      %dma_wait3A_119 = arith.constant 0 : i32
      %dma_wait3A_120 = tpu.memref_slice %arg3[%dma_wait3A_118, %dma_wait3A_119] : memref<1015808x32xf32, #tpu.memory_space<hbm>> -> memref<1015808x32xf32, #tpu.memory_space<hbm>>
      tpu.wait_indirect_dma semaphore(%arg10 : memref<!tpu.dma_semaphore, #tpu.memory_space<semaphore_mem>>) src(%dma_wait3A_120 : memref<1015808x32xf32, #tpu.memory_space<hbm>>) dst(%dma_wait3A_116 : memref<128x32xf32, #tpu.memory_space<vmem>>)
      %dma_wait3A_121 = arith.constant 128 : i32
      %dma_wait3A_122 = arith.constant 0 : i32
      %dma_wait3A_123 = tpu.memref_slice %arg7[%dma_wait3A_121, %dma_wait3A_122] : memref<200x32xf32, #tpu.memory_space<vmem>> -> memref<72x32xf32, #tpu.memory_space<vmem>>
      %dma_wait3A_124 = tpu.memref_slice %arg5[%multiple_of3A_113] : memref<25600xi32, #tpu.memory_space<vmem>> -> memref<72xi32, #tpu.memory_space<vmem>>
      %dma_wait3A_125 = arith.constant 0 : i32
      %dma_wait3A_126 = arith.constant 0 : i32
      %dma_wait3A_127 = tpu.memref_slice %arg3[%dma_wait3A_125, %dma_wait3A_126] : memref<1015808x32xf32, #tpu.memory_space<hbm>> -> memref<1015808x32xf32, #tpu.memory_space<hbm>>
      tpu.wait_indirect_dma semaphore(%arg10 : memref<!tpu.dma_semaphore, #tpu.memory_space<semaphore_mem>>) src(%dma_wait3A_127 : memref<1015808x32xf32, #tpu.memory_space<hbm>>) dst(%dma_wait3A_123 : memref<72x32xf32, #tpu.memory_space<vmem>>)
      %add3A_128 = arith.constant 1 : i32
      %add3A_129 = arith.addi %mul3A_30, %add3A_128 : i32
      %broadcast_in_dim3A_130 = arith.constant 0.000000e+00 : f32
      %broadcast_in_dim3A_131 = vector.broadcast %broadcast_in_dim3A_130 : f32 to vector<16xf32>
      %broadcast_in_dim3A_132 = arith.constant 0.000000e+00 : f32
      %broadcast_in_dim3A_133 = vector.broadcast %broadcast_in_dim3A_132 : f32 to vector<16xf32>
      %scan3A_134 = arith.constant 0 : i32
      %scan3A_135 = arith.constant 200 : i32
      %scan3A_136 = arith.addi %scan3A_134, %scan3A_135 : i32
      %scan3A_137 = arith.constant 8 : i32
      %scan3A_138:2 = scf.for %scan3A_150 = %scan3A_134 to %scan3A_136 step %scan3A_137 iter_args(%scan3A_151 = %broadcast_in_dim3A_131, %scan3A_152 = %broadcast_in_dim3A_133) -> (vector<16xf32>, vector<16xf32>)  : i32 {
        %get3A = arith.index_cast %scan3A_150 : i32 to index
        %get3A_153 = arith.constant 0 : index
        %get3A_154 = tpu.vector_load %arg7[%get3A, %get3A_153] {strides = array<i32>} : memref<200x32xf32, #tpu.memory_space<vmem>>, vector<1x16xf32>,
        %get3A_155 = vector.shape_cast %get3A_154 : vector<1x16xf32> to vector<16xf32>
        %add3A_156 = arith.addf %scan3A_151, %get3A_155 : vector<16xf32>
        %get3A_157 = arith.index_cast %scan3A_150 : i32 to index
        %get3A_158 = arith.constant 16 : index
        %get3A_159 = tpu.vector_load %arg7[%get3A_157, %get3A_158] {strides = array<i32>} : memref<200x32xf32, #tpu.memory_space<vmem>>, vector<1x16xf32>,
        %get3A_160 = vector.shape_cast %get3A_159 : vector<1x16xf32> to vector<16xf32>
        %add3A_161 = arith.addf %scan3A_152, %get3A_160 : vector<16xf32>
        %scan3A_162 = arith.constant 1 : i32
        %scan3A_163 = arith.addi %scan3A_150, %scan3A_162 : i32
        %get3A_164 = arith.index_cast %scan3A_163 : i32 to index
        %get3A_165 = arith.constant 0 : index
        %get3A_166 = tpu.vector_load %arg7[%get3A_164, %get3A_165] {strides = array<i32>} : memref<200x32xf32, #tpu.memory_space<vmem>>, vector<1x16xf32>,
        %get3A_167 = vector.shape_cast %get3A_166 : vector<1x16xf32> to vector<16xf32>
        %add3A_168 = arith.addf %add3A_156, %get3A_167 : vector<16xf32>
        %get3A_169 = arith.index_cast %scan3A_163 : i32 to index
        %get3A_170 = arith.constant 16 : index
        %get3A_171 = tpu.vector_load %arg7[%get3A_169, %get3A_170] {strides = array<i32>} : memref<200x32xf32, #tpu.memory_space<vmem>>, vector<1x16xf32>,
        %get3A_172 = vector.shape_cast %get3A_171 : vector<1x16xf32> to vector<16xf32>
        %add3A_173 = arith.addf %add3A_161, %get3A_172 : vector<16xf32>
        %scan3A_174 = arith.constant 2 : i32
        %scan3A_175 = arith.addi %scan3A_150, %scan3A_174 : i32
        %get3A_176 = arith.index_cast %scan3A_175 : i32 to index
        %get3A_177 = arith.constant 0 : index
        %get3A_178 = tpu.vector_load %arg7[%get3A_176, %get3A_177] {strides = array<i32>} : memref<200x32xf32, #tpu.memory_space<vmem>>, vector<1x16xf32>,
        %get3A_179 = vector.shape_cast %get3A_178 : vector<1x16xf32> to vector<16xf32>
        %add3A_180 = arith.addf %add3A_168, %get3A_179 : vector<16xf32>
        %get3A_181 = arith.index_cast %scan3A_175 : i32 to index
        %get3A_182 = arith.constant 16 : index
        %get3A_183 = tpu.vector_load %arg7[%get3A_181, %get3A_182] {strides = array<i32>} : memref<200x32xf32, #tpu.memory_space<vmem>>, vector<1x16xf32>,
        %get3A_184 = vector.shape_cast %get3A_183 : vector<1x16xf32> to vector<16xf32>
        %add3A_185 = arith.addf %add3A_173, %get3A_184 : vector<16xf32>
        %scan3A_186 = arith.constant 3 : i32
        %scan3A_187 = arith.addi %scan3A_150, %scan3A_186 : i32
        %get3A_188 = arith.index_cast %scan3A_187 : i32 to index
        %get3A_189 = arith.constant 0 : index
        %get3A_190 = tpu.vector_load %arg7[%get3A_188, %get3A_189] {strides = array<i32>} : memref<200x32xf32, #tpu.memory_space<vmem>>, vector<1x16xf32>,
        %get3A_191 = vector.shape_cast %get3A_190 : vector<1x16xf32> to vector<16xf32>
        %add3A_192 = arith.addf %add3A_180, %get3A_191 : vector<16xf32>
        %get3A_193 = arith.index_cast %scan3A_187 : i32 to index
        %get3A_194 = arith.constant 16 : index
        %get3A_195 = tpu.vector_load %arg7[%get3A_193, %get3A_194] {strides = array<i32>} : memref<200x32xf32, #tpu.memory_space<vmem>>, vector<1x16xf32>,
        %get3A_196 = vector.shape_cast %get3A_195 : vector<1x16xf32> to vector<16xf32>
        %add3A_197 = arith.addf %add3A_185, %get3A_196 : vector<16xf32>
        %scan3A_198 = arith.constant 4 : i32
        %scan3A_199 = arith.addi %scan3A_150, %scan3A_198 : i32
        %get3A_200 = arith.index_cast %scan3A_199 : i32 to index
        %get3A_201 = arith.constant 0 : index
        %get3A_202 = tpu.vector_load %arg7[%get3A_200, %get3A_201] {strides = array<i32>} : memref<200x32xf32, #tpu.memory_space<vmem>>, vector<1x16xf32>,
        %get3A_203 = vector.shape_cast %get3A_202 : vector<1x16xf32> to vector<16xf32>
        %add3A_204 = arith.addf %add3A_192, %get3A_203 : vector<16xf32>
        %get3A_205 = arith.index_cast %scan3A_199 : i32 to index
        %get3A_206 = arith.constant 16 : index
        %get3A_207 = tpu.vector_load %arg7[%get3A_205, %get3A_206] {strides = array<i32>} : memref<200x32xf32, #tpu.memory_space<vmem>>, vector<1x16xf32>,
        %get3A_208 = vector.shape_cast %get3A_207 : vector<1x16xf32> to vector<16xf32>
        %add3A_209 = arith.addf %add3A_197, %get3A_208 : vector<16xf32>
        %scan3A_210 = arith.constant 5 : i32
        %scan3A_211 = arith.addi %scan3A_150, %scan3A_210 : i32
        %get3A_212 = arith.index_cast %scan3A_211 : i32 to index
        %get3A_213 = arith.constant 0 : index
        %get3A_214 = tpu.vector_load %arg7[%get3A_212, %get3A_213] {strides = array<i32>} : memref<200x32xf32, #tpu.memory_space<vmem>>, vector<1x16xf32>,
        %get3A_215 = vector.shape_cast %get3A_214 : vector<1x16xf32> to vector<16xf32>
        %add3A_216 = arith.addf %add3A_204, %get3A_215 : vector<16xf32>
        %get3A_217 = arith.index_cast %scan3A_211 : i32 to index
        %get3A_218 = arith.constant 16 : index
        %get3A_219 = tpu.vector_load %arg7[%get3A_217, %get3A_218] {strides = array<i32>} : memref<200x32xf32, #tpu.memory_space<vmem>>, vector<1x16xf32>,
        %get3A_220 = vector.shape_cast %get3A_219 : vector<1x16xf32> to vector<16xf32>
        %add3A_221 = arith.addf %add3A_209, %get3A_220 : vector<16xf32>
        %scan3A_222 = arith.constant 6 : i32
        %scan3A_223 = arith.addi %scan3A_150, %scan3A_222 : i32
        %get3A_224 = arith.index_cast %scan3A_223 : i32 to index
        %get3A_225 = arith.constant 0 : index
        %get3A_226 = tpu.vector_load %arg7[%get3A_224, %get3A_225] {strides = array<i32>} : memref<200x32xf32, #tpu.memory_space<vmem>>, vector<1x16xf32>,
        %get3A_227 = vector.shape_cast %get3A_226 : vector<1x16xf32> to vector<16xf32>
        %add3A_228 = arith.addf %add3A_216, %get3A_227 : vector<16xf32>
        %get3A_229 = arith.index_cast %scan3A_223 : i32 to index
        %get3A_230 = arith.constant 16 : index
        %get3A_231 = tpu.vector_load %arg7[%get3A_229, %get3A_230] {strides = array<i32>} : memref<200x32xf32, #tpu.memory_space<vmem>>, vector<1x16xf32>,
        %get3A_232 = vector.shape_cast %get3A_231 : vector<1x16xf32> to vector<16xf32>
        %add3A_233 = arith.addf %add3A_221, %get3A_232 : vector<16xf32>
        %scan3A_234 = arith.constant 7 : i32
        %scan3A_235 = arith.addi %scan3A_150, %scan3A_234 : i32
        %get3A_236 = arith.index_cast %scan3A_235 : i32 to index
        %get3A_237 = arith.constant 0 : index
        %get3A_238 = tpu.vector_load %arg7[%get3A_236, %get3A_237] {strides = array<i32>} : memref<200x32xf32, #tpu.memory_space<vmem>>, vector<1x16xf32>,
        %get3A_239 = vector.shape_cast %get3A_238 : vector<1x16xf32> to vector<16xf32>
        %add3A_240 = arith.addf %add3A_228, %get3A_239 : vector<16xf32>
        %get3A_241 = arith.index_cast %scan3A_235 : i32 to index
        %get3A_242 = arith.constant 16 : index
        %get3A_243 = tpu.vector_load %arg7[%get3A_241, %get3A_242] {strides = array<i32>} : memref<200x32xf32, #tpu.memory_space<vmem>>, vector<1x16xf32>,
        %get3A_244 = vector.shape_cast %get3A_243 : vector<1x16xf32> to vector<16xf32>
        %add3A_245 = arith.addf %add3A_233, %get3A_244 : vector<16xf32>
        scf.yield %add3A_240, %add3A_245 : vector<16xf32>, vector<16xf32>
      }
      %scan3A_139 = arith.constant 200 : i32
      %swap3A_140 = arith.index_cast %add3A_129 : i32 to index
      %swap3A_141 = arith.constant 0 : index
      %swap3A_142 = tpu.vector_load %arg8[%swap3A_140, %swap3A_141] {strides = array<i32>} : memref<128x32xf32, #tpu.memory_space<vmem>>, vector<1x16xf32>,
      %swap3A_143 = vector.shape_cast %swap3A_142 : vector<1x16xf32> to vector<16xf32>
      %swap3A_144 = vector.shape_cast %scan3A_138#0 : vector<16xf32> to vector<1x16xf32>
      tpu.vector_store %arg8[%swap3A_140, %swap3A_141], %swap3A_144 {strides = array<i32>} : memref<128x32xf32, #tpu.memory_space<vmem>>, vector<1x16xf32>,
      %swap3A_145 = arith.index_cast %add3A_129 : i32 to index
      %swap3A_146 = arith.constant 16 : index
      %swap3A_147 = tpu.vector_load %arg8[%swap3A_145, %swap3A_146] {strides = array<i32>} : memref<128x32xf32, #tpu.memory_space<vmem>>, vector<1x16xf32>,
      %swap3A_148 = vector.shape_cast %swap3A_147 : vector<1x16xf32> to vector<16xf32>
      %swap3A_149 = vector.shape_cast %scan3A_138#1 : vector<16xf32> to vector<1x16xf32>
      tpu.vector_store %arg8[%swap3A_145, %swap3A_146], %swap3A_149 {strides = array<i32>} : memref<128x32xf32, #tpu.memory_space<vmem>>, vector<1x16xf32>,
    }
    %scan3A_24 = arith.constant 64 : i32
    %mul3A_25 = arith.constant 128 : i32
    %mul3A_26 = arith.muli %add3A, %mul3A_25 : i32
    %multiple_of3A_27 = tpu.assume_multiple %mul3A_26, 8 : i32
    "tpu.region"() ({
      %run_scoped3A = tpu.sem_alloc : memref<!tpu.dma_semaphore, #tpu.memory_space<semaphore_mem>>
      %dma_start3A_28 = arith.constant 0 : i32
      %dma_start3A_29 = tpu.memref_slice %arg4[%multiple_of3A_27, %dma_start3A_28] : memref<4096x32xf32, #tpu.memory_space<hbm>> -> memref<128x32xf32, #tpu.memory_space<hbm>>
      %dma_start3A_30 = arith.constant 0 : i32
      %dma_start3A_31 = tpu.memref_slice %arg4[%multiple_of3A_27, %dma_start3A_30] : memref<4096x32xf32, #tpu.memory_space<hbm>> -> memref<128x32xf32, #tpu.memory_space<hbm>>
      tpu.enqueue_dma source(%arg8 : memref<128x32xf32, #tpu.memory_space<vmem>>) target(%dma_start3A_31 : memref<128x32xf32, #tpu.memory_space<hbm>>) target_semaphore(%run_scoped3A : memref<!tpu.dma_semaphore, #tpu.memory_space<semaphore_mem>>)
      %dma_wait3A = arith.constant 0 : i32
      %dma_wait3A_32 = tpu.memref_slice %arg4[%multiple_of3A_27, %dma_wait3A] : memref<4096x32xf32, #tpu.memory_space<hbm>> -> memref<128x32xf32, #tpu.memory_space<hbm>>
      %dma_wait3A_33 = arith.constant 0 : i32
      %dma_wait3A_34 = tpu.memref_slice %arg4[%multiple_of3A_27, %dma_wait3A_33] : memref<4096x32xf32, #tpu.memory_space<hbm>> -> memref<128x32xf32, #tpu.memory_space<hbm>>
      tpu.wait_dma2 semaphore(%run_scoped3A : memref<!tpu.dma_semaphore, #tpu.memory_space<semaphore_mem>>) src(%arg8 : memref<128x32xf32, #tpu.memory_space<vmem>>) dst(%dma_wait3A_34 : memref<128x32xf32, #tpu.memory_space<hbm>>)
      tpu.yield
    }) : () -> ()
    return
  }
}

module attributes {stable_mosaic.version = 14 : i64} {
  func.func @_relayout_body(%arg0: i32, %arg1: memref<32x32768xf32, #tpu.memory_space<vmem>>, %arg2: memref<32768xi32, #tpu.memory_space<vmem>>, %arg3: memref<8192x128xf32, #tpu.memory_space<vmem>>, %arg4: memref<32768xi32, #tpu.memory_space<vmem>>) attributes {dimension_semantics = [#tpu.dimension_semantics<arbitrary>], iteration_bounds = array<i64: 31>, scalar_prefetch = 0 : i64, scratch_operands = 0 : i64, tpu.core_type = #tpu.core_type<tc>, window_params = [{transform_indices = @transform_0, window_bounds = array<i64: 32, 32768>}, {transform_indices = @transform_1, window_bounds = array<i64: 32768>}, {transform_indices = @transform_2, window_bounds = array<i64: 8192, 128>}, {transform_indices = @transform_3, window_bounds = array<i64: 32768>}]} {
    %get3A = arith.constant 0 : index
    %get3A_0 = arith.constant 0 : index
    %get3A_1 = vector.load %arg1[%get3A, %get3A_0] : memref<32x32768xf32, #tpu.memory_space<vmem>>, vector<32x32768xf32>
    %slice3A = vector.extract_strided_slice %get3A_1 {offsets = [0, 0], sizes = [32, 8192], strides = [1, 1]} : vector<32x32768xf32> to vector<32x8192xf32>
    %slice3A_2 = vector.extract_strided_slice %get3A_1 {offsets = [0, 8192], sizes = [32, 8192], strides = [1, 1]} : vector<32x32768xf32> to vector<32x8192xf32>
    %slice3A_3 = vector.extract_strided_slice %get3A_1 {offsets = [0, 16384], sizes = [32, 8192], strides = [1, 1]} : vector<32x32768xf32> to vector<32x8192xf32>
    %slice3A_4 = vector.extract_strided_slice %get3A_1 {offsets = [0, 24576], sizes = [32, 8192], strides = [1, 1]} : vector<32x32768xf32> to vector<32x8192xf32>
    %concatenate3A = tpu.concatenate %slice3A, %slice3A_2, %slice3A_3, %slice3A_4 in 0 : vector<32x8192xf32>, vector<32x8192xf32>, vector<32x8192xf32>, vector<32x8192xf32> -> vector<128x8192xf32>
    %transpose3A = tpu.transpose %concatenate3A, [1, 0] : vector<128x8192xf32> -> vector<8192x128xf32>
    %swap3A = arith.constant 0 : index
    %swap3A_5 = arith.constant 0 : index
    %swap3A_6 = vector.load %arg3[%swap3A, %swap3A_5] : memref<8192x128xf32, #tpu.memory_space<vmem>>, vector<8192x128xf32>
    tpu.vector_store %arg3[%swap3A, %swap3A_5], %transpose3A {strides = array<i32>} : memref<8192x128xf32, #tpu.memory_space<vmem>>, vector<8192x128xf32>,
    %get3A_7 = arith.constant 0 : index
    %get3A_8 = vector.load %arg2[%get3A_7] : memref<32768xi32, #tpu.memory_space<vmem>>, vector<32768xi32>
    %and3A = arith.constant 32767 : i32
    %and3A_9 = vector.broadcast %and3A : i32 to vector<32768xi32>
    %and3A_10 = arith.andi %get3A_8, %and3A_9 : vector<32768xi32>
    %and3A_11 = arith.constant -32768 : i32
    %and3A_12 = vector.broadcast %and3A_11 : i32 to vector<32768xi32>
    %and3A_13 = arith.andi %get3A_8, %and3A_12 : vector<32768xi32>
    %and3A_14 = arith.constant 8191 : i32
    %and3A_15 = vector.broadcast %and3A_14 : i32 to vector<32768xi32>
    %and3A_16 = arith.andi %and3A_10, %and3A_15 : vector<32768xi32>
    %shift_left3A = arith.constant 2 : i32
    %shift_left3A_17 = vector.broadcast %shift_left3A : i32 to vector<32768xi32>
    %shift_left3A_18 = arith.shli %and3A_16, %shift_left3A_17 : vector<32768xi32>
    %add3A = arith.addi %and3A_13, %shift_left3A_18 : vector<32768xi32>
    %jit3A = arith.constant 8192 : i32
    %div3A = vector.broadcast %jit3A : i32 to vector<32768xi32>
    %div3A_19 = arith.divsi %and3A_10, %div3A : vector<32768xi32>
    %sign3A = arith.constant 0 : i32
    %sign3A_20 = vector.broadcast %sign3A : i32 to vector<32768xi32>
    %sign3A_21 = arith.cmpi sgt, %and3A_10, %sign3A_20 : vector<32768xi32>
    %sign3A_22 = arith.extui %sign3A_21 : vector<32768xi1> to vector<32768xi32>
    %sign3A_23 = arith.constant 0 : i32
    %sign3A_24 = vector.broadcast %sign3A_23 : i32 to vector<32768xi32>
    %sign3A_25 = arith.cmpi slt, %and3A_10, %sign3A_24 : vector<32768xi32>
    %sign3A_26 = arith.extui %sign3A_25 : vector<32768xi1> to vector<32768xi32>
    %sign3A_27 = arith.subi %sign3A_22, %sign3A_26 : vector<32768xi32>
    %sign3A_28 = arith.constant 0 : i32
    %sign3A_29 = arith.cmpi sgt, %jit3A, %sign3A_28 : i32
    %sign3A_30 = arith.extui %sign3A_29 : i1 to i32
    %sign3A_31 = arith.constant 0 : i32
    %sign3A_32 = arith.cmpi slt, %jit3A, %sign3A_31 : i32
    %sign3A_33 = arith.extui %sign3A_32 : i1 to i32
    %sign3A_34 = arith.subi %sign3A_30, %sign3A_33 : i32
    %ne3A = vector.broadcast %sign3A_34 : i32 to vector<32768xi32>
    %ne3A_35 = arith.cmpi ne, %sign3A_27, %ne3A : vector<32768xi32>
    %rem3A = vector.broadcast %jit3A : i32 to vector<32768xi32>
    %rem3A_36 = arith.remsi %and3A_10, %rem3A : vector<32768xi32>
    %ne3A_37 = arith.constant 0 : i32
    %ne3A_38 = vector.broadcast %ne3A_37 : i32 to vector<32768xi32>
    %ne3A_39 = arith.cmpi ne, %rem3A_36, %ne3A_38 : vector<32768xi32>
    %and3A_40 = arith.andi %ne3A_35, %ne3A_39 : vector<32768xi1>
    %sub3A = arith.constant 1 : i32
    %sub3A_41 = vector.broadcast %sub3A : i32 to vector<32768xi32>
    %sub3A_42 = arith.subi %div3A_19, %sub3A_41 : vector<32768xi32>
    %select_n3A = arith.select %and3A_40, %sub3A_42, %div3A_19 : vector<32768xi1>, vector<32768xi32>
    %add3A_43 = arith.addi %add3A, %select_n3A : vector<32768xi32>
    %swap3A_44 = arith.constant 0 : index
    %swap3A_45 = vector.load %arg4[%swap3A_44] : memref<32768xi32, #tpu.memory_space<vmem>>, vector<32768xi32>
    tpu.vector_store %arg4[%swap3A_44], %add3A_43 {strides = array<i32>} : memref<32768xi32, #tpu.memory_space<vmem>>, vector<32768xi32>,
    return
  }
  func.func @transform_0(%arg0: i32) -> (i32, i32) {
    %c0_i32 = arith.constant 0 : i32
    %c0_i32_0 = arith.constant 0 : i32
    return %c0_i32, %arg0 : i32, i32
  }
  func.func @transform_1(%arg0: i32) -> i32 {
    %c0_i32 = arith.constant 0 : i32
    return %arg0 : i32
  }
  func.func @transform_2(%arg0: i32) -> (i32, i32) {
    %c0_i32 = arith.constant 0 : i32
    %c0_i32_0 = arith.constant 0 : i32
    return %arg0, %c0_i32 : i32, i32
  }
  func.func @transform_3(%arg0: i32) -> i32 {
    %c0_i32 = arith.constant 0 : i32
    return %arg0 : i32
  }
}

module attributes {stable_mosaic.version = 14 : i64} {
  func.func @_head_body(%arg0: memref<4096x32xf32, #tpu.memory_space<vmem>>, %arg1: memref<32x2xf32, #tpu.memory_space<vmem>>, %arg2: memref<1x2xf32, #tpu.memory_space<vmem>>, %arg3: memref<1x1xf32, #tpu.memory_space<vmem>>, %arg4: memref<4096x2xf32, #tpu.memory_space<vmem>>, %arg5: memref<4096x2xf32, #tpu.memory_space<vmem>>) attributes {dimension_semantics = [], scalar_prefetch = 0 : i64, scratch_operands = 0 : i64, tpu.core_type = #tpu.core_type<tc>} {
    %get3A = arith.constant 0 : index
    %get3A_0 = arith.constant 0 : index
    %get3A_1 = vector.load %arg0[%get3A, %get3A_0] : memref<4096x32xf32, #tpu.memory_space<vmem>>, vector<4096x32xf32>
    %mul3A = arith.constant 5.000000e-03 : f32
    %mul3A_2 = vector.broadcast %mul3A : f32 to vector<4096x32xf32>
    %mul3A_3 = arith.mulf %get3A_1, %mul3A_2 : vector<4096x32xf32>
    %get3A_4 = arith.constant 0 : index
    %get3A_5 = arith.constant 0 : index
    %get3A_6 = vector.load %arg1[%get3A_4, %get3A_5] : memref<32x2xf32, #tpu.memory_space<vmem>>, vector<32x2xf32>
    %dot_general3A = arith.constant dense<0.000000e+00> : vector<4096x2xf32>
    %dot_general3A_7 = tpu.matmul %mul3A_3, %get3A_6, %dot_general3A {dimension_numbers = #tpu.dot_dimension_numbers<[1], [0], [0], [1], [0, 0, 1, 1], [], []>, transpose_lhs_hint = false} : vector<4096x32xf32>, vector<32x2xf32>, vector<4096x2xf32> -> vector<4096x2xf32>
    %get3A_8 = arith.constant 0 : index
    %get3A_9 = arith.constant 0 : index
    %get3A_10 = vector.load %arg2[%get3A_8, %get3A_9] : memref<1x2xf32, #tpu.memory_space<vmem>>, vector<1x2xf32>
    %add3A = vector.broadcast %get3A_10 : vector<1x2xf32> to vector<4096x2xf32>
    %add3A_11 = arith.addf %dot_general3A_7, %add3A : vector<4096x2xf32>
    %get3A_12 = arith.constant 0 : index
    %get3A_13 = arith.constant 0 : index
    %get3A_14 = vector.load %arg3[%get3A_12, %get3A_13] : memref<1x1xf32, #tpu.memory_space<vmem>>, vector<1x1xf32>
    %get3A_15 = vector.extract %get3A_14[0, 0] : f32 from vector<1x1xf32>
    %get3A_16 = arith.constant 0 : index
    %get3A_17 = arith.constant 0 : index
    %get3A_18 = vector.load %arg4[%get3A_16, %get3A_17] : memref<4096x2xf32, #tpu.memory_space<vmem>>, vector<4096x2xf32>
    %mul3A_19 = vector.broadcast %get3A_15 : f32 to vector<4096x2xf32>
    %mul3A_20 = arith.mulf %mul3A_19, %get3A_18 : vector<4096x2xf32>
    %add3A_21 = arith.addf %add3A_11, %mul3A_20 : vector<4096x2xf32>
    %reduce_max3A = arith.constant dense<0xFF800000> : vector<4096xf32>
    %reduce_max3A_22 = vector.multi_reduction <maximumf>, %add3A_21, %reduce_max3A [1] : vector<4096x2xf32> to vector<4096xf32>
    %max3A = arith.constant 0xFF800000 : f32
    %max3A_23 = vector.broadcast %max3A : f32 to vector<4096xf32>
    %max3A_24 = arith.maximumf %max3A_23, %reduce_max3A_22 : vector<4096xf32>
    %broadcast_in_dim3A = vector.shape_cast %max3A_24 : vector<4096xf32> to vector<4096x1xf32>
    %sub3A = vector.broadcast %broadcast_in_dim3A : vector<4096x1xf32> to vector<4096x2xf32>
    %sub3A_25 = arith.subf %add3A_21, %sub3A : vector<4096x2xf32>
    %exp3A = math.exp %sub3A_25 : vector<4096x2xf32>
    %reduce_sum3A = arith.constant dense<0.000000e+00> : vector<4096xf32>
    %reduce_sum3A_26 = vector.multi_reduction <add>, %exp3A, %reduce_sum3A [1] : vector<4096x2xf32> to vector<4096xf32>
    %broadcast_in_dim3A_27 = vector.shape_cast %reduce_sum3A_26 : vector<4096xf32> to vector<4096x1xf32>
    %log3A = math.log %broadcast_in_dim3A_27 : vector<4096x1xf32>
    %sub3A_28 = vector.broadcast %log3A : vector<4096x1xf32> to vector<4096x2xf32>
    %sub3A_29 = arith.subf %sub3A_25, %sub3A_28 : vector<4096x2xf32>
    %swap3A = arith.constant 0 : index
    %swap3A_30 = arith.constant 0 : index
    %swap3A_31 = vector.load %arg5[%swap3A, %swap3A_30] : memref<4096x2xf32, #tpu.memory_space<vmem>>, vector<4096x2xf32>
    tpu.vector_store %arg5[%swap3A, %swap3A_30], %sub3A_29 {strides = array<i32>} : memref<4096x2xf32, #tpu.memory_space<vmem>>, vector<4096x2xf32>,
    return
  }
}

</mosaic_0001>

<sc_bundles>
// kernel: kernel.5.cloned.1.call-start
scs
__scs_entry_jumppad:
0x0: {  	(pc) =	sbr.rel $0x88, $3  }
0x1: {  	(tag) =	ssettag $0x0;
	lr =	simm.s32 $0x1  }
0x2: {  	[smem:$0x3F9B] =	sst lr;
	_ =	strace $0xD0000000  }
0x3: {  	_ = 	snop  }
0x4: {  	_ = 	snop  }
0x5: {  	_ = 	snop  }
0x6: {  	_ = 	snop  }
0x7: {  	_ = 	snop  }
__scs_overlays_trampoline_lowered:
0x8: {  	[smem:$0x3FAA] =	sst s0  }
0x9: {  	[smem:$0x3FAB] =	sst s1  }
0xa: {  	[smem:$0x3FAC] =	sst s2  }
0xb: {  	[smem:$0x3FAD] =	sst s3  }
0xc: {  	[smem:$0x3FAE] =	sst s4  }
0xd: {  	[smem:$0x3FAF] =	sst s5  }
0xe: {  	[smem:$0x3FB0] =	sst s6  }
0xf: {  	[smem:$0x3FB1] =	sst s7  }
0x10: {  	[smem:$0x3FB2] =	sst s8  }
0x11: {  	[smem:$0x3FB3] =	sst s9;
	s0 =	simm.s32 @!p0 $0x0  }
0x12: {  	s1 =	sld [smem:$0x3F99];
	s0 =	simm.s32 @p0 $0x1  }
0x13: {  	[smem:$0x3FB4] =	sst s0;
	s0 =	simm.s32 @!p1 $0x0  }
0x14: {  	s2 =	sld [smem:$0x3F98];
	s0 =	simm.s32 @p1 $0x1  }
0x15: {  	[smem:$0x3FB5] =	sst s0;
	s0 =	simm.s32 @!p2 $0x0  }
0x16: {  	s3 =	sld [smem:$0x3FDB];
	s0 =	simm.s32 @p2 $0x1  }
0x17: {  	s4 =	simm.s32 $0x1BF5;
	[smem:$0x3FB7] =	sst s0  }
0x18: {  	s0 =	sld [smem:$0x3F9A];
	_ =	swait.ge [sflag:s4], $0x0  }
0x19: {  	s7 =	sld [smem:$0x3F9B]  }
0x1a: {  	s8 =	sadd.s32 $0xFFFFE003, lr  }
0x1b: {  	s9 =	sadd.s32 $0xFFFFFEF7, lr;
	s5 =	simm.s32 $0xFFFFFFFF;
	p2 =	slt.u32 s8, $0xFFFFF086  }
0x1c: {  	p1 =	slt.u32 s9, $0xF7A;
	s5 =	simm.s32 @!p2 $0x0  }
0x1d: {  	s5 =	simm.s32 @p1 $0x1;
	p0 =	seq.s32 s7, s2  }
0x1e: {  	s7 =	smul.u32 @!p0 $0xF7A, s2;
	p2 =	seq.s32 @!p0 s5, $0x0  }
0x1f: {  	s9 =	smul.u32 $0xF7A, s1;
	s8 =	simm.s32 @!p0 $0x1BF5;
	p2 =	por !p2, p0  }
0x20: {  	[sflag:s8] =	ssyncset.s32 @!p0 $0xFFFFF086;
	s6 =	sadd.s32 @!p0 s3, s7;
	s7 =	simm.s32 @!p0 $0x108  }
0x21: {  	s3 =	sadd.s32 s3, s9;
	s6 =	sadd.s32 @!p0 $0x88, s6;
	s7 =	simm.s32 @p2 $0x1082  }
0x22: {  	[simem:s7], [sflag:s8] =	dma.local @!p0 [hbm:s6], $0xF7A  }
0x23: {  	s9 =	sor.u32 $0xD0000000, s2;
	s6 =	simm.s32 $0x108;
	_ =	swait.ge @!p0 [sflag:s8], $0x0  }
0x24: {  	s3 =	sadd.s32 $0x88, s3;
	s6 =	simm.s32 @!p1 $0x1082;
	[sflag:s4] =	ssyncset.s32 $0xFFFFF086  }
0x25: {  	[simem:s6], [sflag:s4] =	dma.local [hbm:s3], $0xF7A  }
0x26: {  	[smem:$0x3F9B] =	sst s1;
	(tag) =	ssettag s2;
	_ =	strace s9  }
0x27: {  	s1 =	sld [smem:$0x3FAB]  }
0x28: {  	s2 =	sld [smem:$0x3FAC]  }
0x29: {  	s4 =	sld [smem:$0x3FAE]  }
0x2a: {  	p0 =	seq.s32 s5, $0x0;
	s5 =	sld [smem:$0x3FAF]  }
0x2b: {  	s6 =	sld [smem:$0x3FB0]  }
0x2c: {  	s7 =	sld [smem:$0x3FB1]  }
0x2d: {  	s3 =	simm.s32 $0x108;
	s8 =	sld [smem:$0x3FB2]  }
0x2e: {  	s3 =	simm.s32 @!p0 $0x1082;
	s9 =	sld [smem:$0x3FB3]  }
0x2f: {  	lr =	sadd.s32 s0, s3;
	s0 =	sld [smem:$0x3FAA]  }
0x30: {  	s3 =	sld [smem:$0x3FAD]  }
0x31: {  	[smem:$0x3FB6] =	sst s10  }
0x32: {  	s10 =	sld [smem:$0x3FB4];
	_ =	sdelay $0x3  }
0x33: {  	p0 =	seq.s32 s10, $0x1;
	s10 =	sld [smem:$0x3FB6];
	_ =	sdelay $0x3  }
0x34: {  	[smem:$0x3FB6] =	sst s10  }
0x35: {  	s10 =	sld [smem:$0x3FB5];
	_ =	sdelay $0x3  }
0x36: {  	p1 =	seq.s32 s10, $0x1;
	s10 =	sld [smem:$0x3FB6];
	_ =	sdelay $0x3  }
0x37: {  	[smem:$0x3FB6] =	sst s10  }
0x38: {  	s10 =	sld [smem:$0x3FB7]  }
0x39: {  	_ = 	snop;
	(pc) =	sbr.ind lr, $3  }
0x3a: {  	_ = 	snop  }
0x3b: {  	_ = 	snop  }
0x3c: {  	p2 =	seq.s32 s10, $0x1;
	s10 =	sld [smem:$0x3FB6]  }
0x3d: {  	_ =	shalt  }
0x3e: {  	_ =	shalt  }
0x3f: {  	_ =	shalt  }
0x40: {  	_ =	shalt  }
0x41: {  	_ =	shalt  }
0x42: {  	_ =	shalt  }
0x43: {  	_ =	shalt  }
0x44: {  	_ =	shalt  }
0x45: {  	_ =	shalt  }
0x46: {  	_ =	shalt  }
0x47: {  	_ =	shalt  }
0x48: {  	_ =	shalt  }
0x49: {  	_ =	shalt  }
0x4a: {  	_ =	shalt  }
0x4b: {  	_ =	shalt  }
0x4c: {  	_ =	shalt  }
0x4d: {  	_ =	shalt  }
0x4e: {  	_ =	shalt  }
0x4f: {  	_ =	shalt  }
0x50: {  	_ =	shalt  }
0x51: {  	_ =	shalt  }
0x52: {  	_ =	shalt  }
0x53: {  	_ =	shalt  }
0x54: {  	_ =	shalt  }
0x55: {  	_ =	shalt  }
0x56: {  	_ =	shalt  }
0x57: {  	_ =	shalt  }
0x58: {  	_ =	shalt  }
0x59: {  	_ =	shalt  }
0x5a: {  	_ =	shalt  }
0x5b: {  	_ =	shalt  }
0x5c: {  	_ =	shalt  }
0x5d: {  	_ =	shalt  }
0x5e: {  	_ =	shalt  }
0x5f: {  	_ =	shalt  }
0x60: {  	_ =	shalt  }
0x61: {  	_ =	shalt  }
0x62: {  	_ =	shalt  }
0x63: {  	_ =	shalt  }
0x64: {  	_ =	shalt  }
0x65: {  	_ =	shalt  }
0x66: {  	_ =	shalt  }
0x67: {  	_ =	shalt  }
0x68: {  	_ =	shalt  }
0x69: {  	_ =	shalt  }
0x6a: {  	_ =	shalt  }
0x6b: {  	_ =	shalt  }
0x6c: {  	_ =	shalt  }
0x6d: {  	_ =	shalt  }
0x6e: {  	_ =	shalt  }
0x6f: {  	_ =	shalt  }
0x70: {  	_ =	shalt  }
0x71: {  	_ =	shalt  }
0x72: {  	_ =	shalt  }
0x73: {  	_ =	shalt  }
0x74: {  	_ =	shalt  }
0x75: {  	_ =	shalt  }
0x76: {  	_ =	shalt  }
0x77: {  	_ =	shalt  }
0x78: {  	_ =	shalt  }
0x79: {  	_ =	shalt  }
0x7a: {  	_ =	shalt  }
0x7b: {  	_ =	shalt  }
0x7c: {  	_ =	shalt  }
0x7d: {  	_ =	shalt  }
0x7e: {  	_ =	shalt  }
0x7f: {  	_ =	shalt  }
0x80: {  	_ =	shalt  }
0x81: {  	_ =	shalt  }
0x82: {  	_ =	shalt  }
0x83: {  	_ =	shalt  }
0x84: {  	_ =	shalt  }
0x85: {  	_ =	shalt  }
0x86: {  	_ =	shalt  }
0x87: {  	_ =	shalt  }
.Lfunc_end0:
.L_simem_size_0:
called_computation_lowered:
.L_overlay_start_0:
0x88: {  	s2 =	sld [smem:$0x3FD9]  }
0x89: {  	s3 =	sld [smem:$0x3FFE];
	_ =	sdelay $0x1  }
0x8a: {  	s1 =	srdreg.scid  }
0x8b: {  	s0 =	sand.u32 $0x1, s1  }
0x8c: {  	s16 =	sshll.u32 s0, $0xA;
	s2 =	sadd.s32 s3, s2  }
0x8d: {  	s2 =	sadd.s32 s2, s16  }
0x8e: {  	[smem:$0x3FC2] =	sst s2  }
0x8f: {  	_ = 	snop  }
0x90: {  	(tm) =	ssettm $0x1  }
0x91: {  	s17 =	sld [smem:$0x3FFB];
	_ =	sdelay $0x3  }
0x92: {  	_ =	strace s17  }
0x93: {  	s2 =	sld [smem:$0x3FFC];
	_ =	sdelay $0x3  }
0x94: {  	_ =	strace s2  }
0x95: {  	s2 =	sld [smem:$0x3FFD];
	_ =	sdelay $0x3  }
0x96: {  	_ =	strace s2  }
0x97: {  	_ =	strace $0x8FFFFFFF  }
0x98: {  	s18 =	sld [smem:$0x3FDB];
	_ =	sdelay $0x1  }
0x99: {  	s19 =	simm.s32 $_scs_section_size  }
0x9a: {  	s4 =	simm.s32 $_size__tile_overlayer_lowered;
	s5 =	simm.s32 $_tile_overlayer_lowered  }
0x9b: {  	s22 =	simm.s32 $0x1BFF;
	s21 =	sshll.u32 s5, $0x1;
	s2 =	sadd.s32 s19, s18  }
0x9c: {  	s6 =	simm.s32 $0x0;
	s20 =	sshll.u32 s4, $0x1;
	s4 =	sadd.s32 s21, s2  }
0x9d: {  	[timem:s6], [sflag:s22] =	dma.local [hbm:s4], s20  }
0x9e: {  	_ =	swait.ge [sflag:s22], s20  }
0x9f: {  	s3 =	ssub.s32 $0x0, s20;
	[sflag:s22] =	ssyncset.done $0x0  }
0xa0: {  	[sflag:s22] =	ssyncadd.s32 s3;
	_ =	sdelay $0x1  }
0xa1: {  	s23 =	simm.s32 $0x1B8B  }
0xa2: {  	_ =	swait.ge [sflag:s23], $0x1  }
0xa3: {  	[sflag:s23] =	ssyncset.done $0x0  }
0xa4: {  	s25 =	simm.s32 $0x1B8E;
	s24 =	sld [smem:$0x3FFE];
	[sflag:s23] =	ssyncadd.s32 $0xFFFFFFFF  }
0xa5: {  	s26 =	simm.s32 $execute0_lowered;
	[smem:$0x3FD2] =	sst s25  }
0xa6: {  	s4 =	sshll.u32 s26, $0x1;
	_ =	strace $0x80000046;
	[dreg:$0x1] =	wrdreg $0xFFFFFFFF  }
0xa7: {  	s28 =	simm.s32 $_size_execute0_lowered;
	s2 =	sadd.s32 s2, s4;
	[dreg:$0x0] =	wrdreg $0x0  }
0xa8: {  	s4 =	sshll.u32 s28, $0x1;
	[dreg:$0x2] =	wrdreg s2  }
0xa9: {  	[dreg:$0x3] =	wrdreg s4  }
0xaa: {  	[dreg:$0x4] =	wrdreg $0xC0  }
0xab: {  	_ =	task [dreg:s6], $0x5FFFF  }
0xac: {  	[dreg:$0x1] =	wrdreg $0xFFFFFFFF  }
0xad: {  	[dreg:$0x0] =	wrdreg $0x60  }
0xae: {  	[dreg:$0x2] =	wrdreg s24  }
0xaf: {  	[dreg:$0x3] =	wrdreg $0x9  }
0xb0: {  	_ =	task.clear_ibuf [dreg:s6], $0x4FFFF;
	_ =	strace $0x90000046  }
0xb1: {  	s29 =	simm.s32 $0x9;
	_ =	strace $0x80000048  }
0xb2: {  	_ =	swait.ge [sflag:s29], $0x1  }
0xb3: {  	[sflag:s29] =	ssyncadd.s32 $0xFFFFFFFF  }
0xb4: {  	_ =	strace $0x90000048  }
0xb5: {  	_ =	sfence  }
0xb6: {  	s30 =	sld [smem:$0x0];
	_ =	sdelay $0x2  }
0xb7: {  	s31 =	sshll.u32 s1, $0xD;
	s1 =	sshrl.u32 s1, $0x2  }
0xb8: {  	s3 =	sand.u32 $0x4000, s31;
	s1 =	sadd.s32 s1, s30  }
0xb9: {  	s0 =	sor.u32 s3, s0;
	s1 =	sshll.u32 s1, $0x11  }
0xba: {  	s0 =	sor.u32 s1, s0  }
0xbb: {  	s0 =	sadd.s32 $0x8F2B, s0  }
0xbc: {  	[sflag:s0] =	ssyncadd.remote.s32 $0x1  }
0xbd: {  	_ =	sfence.sel $0xFFFF  }
0xbe: {  	[dreg:$0x0] =	wrdreg $0xFFFFFFFF;
	(pc) =	sbr.abs _section_cstart, $3  }
0xbf: {  	[dreg:$0x1] =	wrdreg $0xFFFFFFFF  }
0xc0: {  	_ =	task.clear_ibuf [dreg:s6], $0x2FFFF;
	_ =	strace $0x9FFFFFFF  }
0xc1: {  	(tm) =	ssettm $0x7FFFFFFF  }
tec
execute0_lowered:
.L_overlay_start_1:
0x0: {  	(tag) =	ssettag $0x1  }
0x1: {  	s1 =	srdreg.scid;
	s0 =	stileid.u32  }
0x2: {  	s4 =	rddreg [dreg:$0x0];
	s2 =	simm.s32 $0x0;
	s8 =	simm.s32 $0x80  }
0x3: {  	s9 =	simm.s32 $0x6400;
	s10 =	simm.s32 $0x48;
	s11 =	simm.s32 $0x7400  }
0x4: {  	s12 =	simm.s32 $0x7D00;
	s13 =	simm.s32 $0x8D00;
	s14 =	simm.s32 $0x1  }
0x5: {  	s15 =	simm.s32 $0x2;
	s16 =	simm.s32 $0x9600;
	s17 =	simm.s32 $0x0  }
0x6: {  	s3 =	sand.u32 $0x1, s1;
	s5 =	sshll.u32 s0, $0x1;
	[smem:$0x7FF] =	sst s2  }
0x7: {  	s1 =	rddreg [dreg:$0x1];
	s5 =	sor.u32 s3, s5;
	_ =	strace $0x80000047  }
0x8: {  	s7 =	ssub.s32 $0x2, s3;
	s6 =	smul.u32 $0xC80, s5;
	s5 =	sshll.u32 s5, $0x9  }
0x9: {  	s3 =	sadd.s32 $0xC00, s4;
	s31 =	sshrl.u32 s7, $0x1;
	s5 =	sadd.s32 s5, s4  }
0xa: {  	s7 =	ssub.s32 s7, s31;
	s6 =	sadd.s32 s6, s4;
	s5 =	sadd.s32 $0x3F9C00, s5  }
0xb: {  	s4 =	sadd.s32 $0x3E0C00, s6;
	s6 =	smax.u32 s7, $0x1;
	s7 =	simm.s32 $0x3  }
.LBB2_1:
0xc: {  	[tilespmem:s2], [sflag:$0x3] =	stream.linear.gather [hbm4b:s4+s2], $0x6400, $0x38;
	[tilespmem:$0xA600] =	vst v63  }
0xd: {  	_ =	swait.ge [sflag:s7], $0x6400  }
0xe: {  	[sflag:s7] =	ssyncset.done $0x0  }
0xf: {  	[sflag:s7] =	ssyncadd.s32 $0xFFFF9C00  }
0x10: {  	[tilespmem:s9], [sflag:$0x1] =	stream.indirect.gather [hbm4b:s3+s8], $0x20, s2, s8, $0xb8;
	[tilespmem:$0xA600] =	vst v63  }
0x11: {  	s18 =	simm.s32 $0x0  }
0x12: {  	[tilespmem:s11], [sflag:$0x1] =	stream.indirect.gather [hbm4b:s3+s10], $0x20, s8, s10, $0xb8;
	[tilespmem:$0xA600] =	vst v63  }
.LBB2_2:
0x13: {  	s19 =	sshllo.u32 s18, $0x1  }
0x14: {  	s20 =	smul.u32 $0x320, s19;
	_ =	sdelay $0x1  }
0x15: {  	s20 =	sshra.s32 s20, $0x2  }
0x16: {  	[tilespmem:s12], [sflag:$0x2] =	stream.indirect.gather [hbm4b:s3+s8], $0x20, s20, s8, $0xb8;
	[tilespmem:$0xA600] =	vst v63  }
0x17: {  	s20 =	sadd.s32 $0x80, s20  }
0x18: {  	[tilespmem:s13], [sflag:$0x2] =	stream.indirect.gather [hbm4b:s3+s10], $0x20, s20, s10, $0xb8;
	[tilespmem:$0xA600] =	vst v63  }
0x19: {  	_ =	swait.ge [sflag:s14], $0x1000  }
0x1a: {  	[sflag:s14] =	ssyncset.done $0x0  }
0x1b: {  	[sflag:s14] =	ssyncadd.s32 $0xFFFFF000  }
0x1c: {  	_ =	swait.ge [sflag:s14], $0x900  }
0x1d: {  	[sflag:s14] =	ssyncset.done $0x0  }
0x1e: {  	s21 =	simm.s32 $0x6480;
	[sflag:s14] =	ssyncadd.s32 $0xFFFFF700  }
0x1f: {  	v0 =	vld [tilespmem:s21+$0xFFFFFF80]  }
0x20: {  	v1 =	vld [tilespmem:s21+$0xFFFFFF90]  }
0x21: {  	v2 =	vld [tilespmem:s21+$0xFFFFFFA0]  }
0x22: {  	v3 =	vld [tilespmem:s21+$0xFFFFFFB0]  }
0x23: {  	v4 =	vld [tilespmem:s21+$0xFFFFFFC0]  }
0x24: {  	v6 =	vimm.f32 $0.0e+00;
	v5 =	vld [tilespmem:s21+$0xFFFFFFD0]  }
0x25: {  	v7 =	vld [tilespmem:s21+$0xFFFFFFE0];
	v0 =	vadd.f32 v0, v6;
	v1 =	vadd.f32 v1, v6  }
0x26: {  	v6 =	vld [tilespmem:s21+$0xFFFFFFF0]  }
0x27: {  	v8 =	vld [tilespmem:s21+$0x0];
	v2 =	vadd.f32 v2, v0;
	v1 =	vadd.f32 v3, v1  }
0x28: {  	v9 =	vld [tilespmem:s21+$0x10]  }
0x29: {  	v0 =	vld [tilespmem:s21+$0x20];
	v2 =	vadd.f32 v4, v2;
	v4 =	vadd.f32 v5, v1  }
0x2a: {  	v3 =	vld [tilespmem:s21+$0x30]  }
0x2b: {  	v1 =	vld [tilespmem:s21+$0x40];
	v5 =	vadd.f32 v7, v2;
	v7 =	vadd.f32 v6, v4  }
0x2c: {  	v4 =	vld [tilespmem:s21+$0x50]  }
0x2d: {  	v2 =	vld [tilespmem:s21+$0x60];
	v6 =	vadd.f32 v8, v5;
	v7 =	vadd.f32 v9, v7  }
0x2e: {  	s20 =	simm.s32 $0x0;
	v5 =	vld [tilespmem:s21+$0x70];
	s21 =	simm.s32 $0x6580  }
.LBB2_3:
0x2f: {  	v8 =	vld [tilespmem:s21+$0xFFFFFF80];
	v0 =	vadd.f32 v0, v6;
	v3 =	vadd.f32 v3, v7  }
0x30: {  	s20 =	sadd.s32 $0x8, s20;
	v6 =	vld [tilespmem:s21+$0xFFFFFF90]  }
0x31: {  	p0 =	slt.u32 s20, $0xC0;
	v7 =	vld [tilespmem:s21+$0xFFFFFFA0];
	v0 =	vadd.f32 v1, v0;
	v1 =	vadd.f32 v4, v3  }
0x32: {  	v3 =	vld [tilespmem:s21+$0xFFFFFFB0]  }
0x33: {  	v4 =	vld [tilespmem:s21+$0xFFFFFFC0];
	v0 =	vadd.f32 v2, v0;
	v1 =	vadd.f32 v5, v1  }
0x34: {  	v2 =	vld [tilespmem:s21+$0xFFFFFFD0]  }
0x35: {  	v0 =	vadd.f32 v8, v0;
	v1 =	vadd.f32 v6, v1;
	v5 =	vld [tilespmem:s21+$0xFFFFFFE0]  }
0x36: {  	v6 =	vld [tilespmem:s21+$0xFFFFFFF0]  }
0x37: {  	v0 =	vadd.f32 v7, v0;
	v1 =	vadd.f32 v3, v1;
	v7 =	vld [tilespmem:s21+$0x0]  }
0x38: {  	v8 =	vld [tilespmem:s21+$0x10]  }
0x39: {  	v4 =	vadd.f32 v4, v0;
	v1 =	vadd.f32 v2, v1;
	v0 =	vld [tilespmem:s21+$0x20]  }
.Ltmp0:
0x3a: {  	v3 =	vld [tilespmem:s21+$0x30];
	(pc) =	sbr.rel @p0 .LBB2_3-.Ltmp0, $4  }
0x3b: {  	v2 =	vadd.f32 v5, v4;
	v5 =	vadd.f32 v6, v1;
	v1 =	vld [tilespmem:s21+$0x40]  }
0x3c: {  	v4 =	vld [tilespmem:s21+$0x50]  }
0x3d: {  	v6 =	vadd.f32 v7, v2;
	v7 =	vadd.f32 v8, v5;
	v2 =	vld [tilespmem:s21+$0x60]  }
0x3e: {  	v5 =	vld [tilespmem:s21+$0x70];
	s21 =	sadd.s32 $0x100, s21  }
0x3f: {  	v0 =	vadd.f32 v0, v6  }
0x40: {  	v3 =	vadd.f32 v3, v7  }
0x41: {  	v0 =	vadd.f32 v1, v0  }
0x42: {  	p0 =	seq.s32 s18, $0x3F;
	v1 =	vadd.f32 v4, v3  }
0x43: {  	s20 =	sshll.u32 s18, $0x6;
	s21 =	smul.u32 @!p0 $0x640, s18;
	v0 =	vadd.f32 v2, v0  }
0x44: {  	s20 =	sand.u32 $0x3FFFFFC0, s20;
	v1 =	vadd.f32 v5, v1  }
0x45: {  	s21 =	sshra.s32 @!p0 s21, $0x2;
	[tilespmem:s20+$0x9600] =	vst v0  }
0x46: {  	s22 =	simm.s32 @!p0 $0x80;
	s23 =	simm.s32 @!p0 $0x6400;
	[tilespmem:s20+$0x9610] =	vst v1;
	s20 =	sadd.s32 @!p0 $0x190, s21  }
0x47: {  	[tilespmem:s23], [sflag:$0x1] =	stream.indirect.gather @!p0 [hbm4b:s3+s22], $0x20, s20, s22, $0xb8;
	[tilespmem:$0xA600] =	vst v63  }
0x48: {  	s20 =	sadd.s32 @!p0 $0x210, s21;
	s21 =	simm.s32 @!p0 $0x48;
	s22 =	simm.s32 @!p0 $0x7400  }
0x49: {  	[tilespmem:s22], [sflag:$0x1] =	stream.indirect.gather @!p0 [hbm4b:s3+s21], $0x20, s20, s21, $0xb8;
	[tilespmem:$0xA600] =	vst v63  }
0x4a: {  	_ =	swait.ge [sflag:s15], $0x1000  }
0x4b: {  	[sflag:s15] =	ssyncset.done $0x0  }
0x4c: {  	[sflag:s15] =	ssyncadd.s32 $0xFFFFF000  }
0x4d: {  	_ =	swait.ge [sflag:s15], $0x900  }
0x4e: {  	[sflag:s15] =	ssyncset.done $0x0  }
0x4f: {  	s31 =	simm.s32 $0x7D80;
	[sflag:s15] =	ssyncadd.s32 $0xFFFFF700  }
0x50: {  	v0 =	vld [tilespmem:s31+$0xFFFFFF80]  }
0x51: {  	v1 =	vld [tilespmem:s31+$0xFFFFFF90]  }
0x52: {  	v2 =	vld [tilespmem:s31+$0xFFFFFFA0]  }
0x53: {  	v3 =	vld [tilespmem:s31+$0xFFFFFFB0]  }
0x54: {  	v4 =	vld [tilespmem:s31+$0xFFFFFFC0]  }
0x55: {  	v6 =	vimm.f32 $0.0e+00;
	v5 =	vld [tilespmem:s31+$0xFFFFFFD0]  }
0x56: {  	v7 =	vld [tilespmem:s31+$0xFFFFFFE0];
	v0 =	vadd.f32 v0, v6;
	v1 =	vadd.f32 v1, v6  }
0x57: {  	v6 =	vld [tilespmem:s31+$0xFFFFFFF0]  }
0x58: {  	v8 =	vld [tilespmem:s31+$0x0];
	v2 =	vadd.f32 v2, v0;
	v1 =	vadd.f32 v3, v1  }
0x59: {  	v9 =	vld [tilespmem:s31+$0x10]  }
0x5a: {  	v0 =	vld [tilespmem:s31+$0x20];
	v2 =	vadd.f32 v4, v2;
	v4 =	vadd.f32 v5, v1  }
0x5b: {  	v3 =	vld [tilespmem:s31+$0x30]  }
0x5c: {  	v1 =	vld [tilespmem:s31+$0x40];
	v5 =	vadd.f32 v7, v2;
	v7 =	vadd.f32 v6, v4  }
0x5d: {  	v4 =	vld [tilespmem:s31+$0x50]  }
0x5e: {  	v2 =	vld [tilespmem:s31+$0x60];
	v6 =	vadd.f32 v8, v5;
	v7 =	vadd.f32 v9, v7  }
0x5f: {  	s20 =	simm.s32 $0x0;
	s21 =	simm.s32 $0x7E80;
	v5 =	vld [tilespmem:s31+$0x70]  }
.LBB2_5:
0x60: {  	v8 =	vld [tilespmem:s21+$0xFFFFFF80];
	v0 =	vadd.f32 v0, v6;
	v3 =	vadd.f32 v3, v7  }
0x61: {  	s20 =	sadd.s32 $0x8, s20;
	v6 =	vld [tilespmem:s21+$0xFFFFFF90]  }
0x62: {  	p0 =	slt.u32 s20, $0xC0;
	v7 =	vld [tilespmem:s21+$0xFFFFFFA0];
	v0 =	vadd.f32 v1, v0;
	v1 =	vadd.f32 v4, v3  }
0x63: {  	v3 =	vld [tilespmem:s21+$0xFFFFFFB0]  }
0x64: {  	v4 =	vld [tilespmem:s21+$0xFFFFFFC0];
	v0 =	vadd.f32 v2, v0;
	v1 =	vadd.f32 v5, v1  }
0x65: {  	v2 =	vld [tilespmem:s21+$0xFFFFFFD0]  }
0x66: {  	v0 =	vadd.f32 v8, v0;
	v1 =	vadd.f32 v6, v1;
	v5 =	vld [tilespmem:s21+$0xFFFFFFE0]  }
0x67: {  	v6 =	vld [tilespmem:s21+$0xFFFFFFF0]  }
0x68: {  	v0 =	vadd.f32 v7, v0;
	v1 =	vadd.f32 v3, v1;
	v7 =	vld [tilespmem:s21+$0x0]  }
0x69: {  	v8 =	vld [tilespmem:s21+$0x10]  }
0x6a: {  	v4 =	vadd.f32 v4, v0;
	v1 =	vadd.f32 v2, v1;
	v0 =	vld [tilespmem:s21+$0x20]  }
.Ltmp1:
0x6b: {  	v3 =	vld [tilespmem:s21+$0x30];
	(pc) =	sbr.rel @p0 .LBB2_5-.Ltmp1, $4  }
0x6c: {  	v2 =	vadd.f32 v5, v4;
	v5 =	vadd.f32 v6, v1;
	v1 =	vld [tilespmem:s21+$0x40]  }
0x6d: {  	v4 =	vld [tilespmem:s21+$0x50]  }
0x6e: {  	v6 =	vadd.f32 v7, v2;
	v7 =	vadd.f32 v8, v5;
	v2 =	vld [tilespmem:s21+$0x60]  }
0x6f: {  	v5 =	vld [tilespmem:s21+$0x70];
	s21 =	sadd.s32 $0x100, s21  }
0x70: {  	v0 =	vadd.f32 v0, v6  }
0x71: {  	v3 =	vadd.f32 v3, v7;
	s18 =	sadd.s32 $0x1, s18  }
0x72: {  	p0 =	sne.s32 s18, $0x40;
	v0 =	vadd.f32 v1, v0  }
.Ltmp2:
0x73: {  	v63 =	vadd.f32 v4, v3;
	(pc) =	sbr.rel @p0 .LBB2_2-.Ltmp2, $4  }
0x74: {  	s19 =	sshll.u32 s19, $0x5;
	v0 =	vadd.f32 v2, v0  }
0x75: {  	s19 =	sand.u32 $0x3FFFFFE0, s19;
	v1 =	vadd.f32 v5, v63  }
0x76: {  	[tilespmem:s19+$0x9600] =	vst v0  }
0x77: {  	[tilespmem:s19+$0x9610] =	vst v1  }
0x78: {  	s17 =	sadd.s32 $0x1, s17  }
0x79: {  	p0 =	sne.s32 s17, s6  }
.Ltmp3:
0x7a: {  	_ = 	snop;
	(pc) =	sbr.rel @p0 .LBB2_1-.Ltmp3, $4  }
0x7b: {  	[hbm4b:s5+s2] =	stream.linear.scatter [tilespmem:s16], [sflag:$0x3], $0x1000, $0x38;
	[tilespmem:$0xA600] =	vst v63  }
0x7c: {  	_ =	swait.ge [sflag:s7], $0x1000  }
0x7d: {  	[sflag:s7] =	ssyncset.done $0x0  }
0x7e: {  	[sflag:s7] =	ssyncadd.s32 $0xFFFFF000  }
0x7f: {  	_ =	sfence.sel $0x180000  }
0x80: {  	[bflag:$0x0] =	sbarrier.arrive $0xFFFF  }
0x81: {  	p0 =	sne.s32 s0, $0x0;
	_ =	strace $0x90000047  }
0x82: {  	s0 =	sadd.s32 @!p0 $0x100000, s1;
	[bflag:$0x2] =	sbarrier.arrive $0xFFFF  }
0x83: {  	[sflag:s0] =	ssyncadd.tile.s32 @!p0 $0x1;
	_ =	shalt  }
.Lfunc_end2:
_tile_overlayer_lowered:
.L_overlay_start_2:
0x84: {  	(tag) =	ssettag $0x2  }
0x85: {  	s0 =	rddreg [dreg:$0x0];
	s2 =	stileid.u32  }
0x86: {  	s1 =	rddreg [dreg:$0x1];
	p0 =	sne.s32 s2, $0x0  }
0x87: {  	s3 =	rddreg [dreg:$0x2];
	[bflag:$0x3] =	sbarrier.arrive $0xFFFF;
	s2 =	simm.s32 @!p0 $0x1C03  }
0x88: {  	[timem:s3], [sflag:s2] =	dma.local @!p0 [hbm:s0], s1  }
0x89: {  	s0 =	simm.s32 @!p0 $0x3  }
0x8a: {  	_ =	swait.ge @!p0 [sflag:s0], s1  }
0x8b: {  	s1 =	ssub.s32 @!p0 $0x0, s1;
	[sflag:s0] =	ssyncset.done @!p0 $0x0  }
0x8c: {  	[sflag:s0] =	ssyncadd.s32 @!p0 s1  }
0x8d: {  	[bflag:$0x3] =	sbarrier.arrive $0xFFFF  }
0x8e: {  	_ =	shalt  }

</sc_bundles>
